<compile_context>
chip_gen: v7x
topology: tpu7x:2x2x1
jax: 0.10.2.dev20260603
libtpu: 0.0.44.dev20260713+nightly
codegen_flags: <defaults>
</compile_context>

<pallas_src>
import functools

import jax
import jax.numpy as jnp
from jax import lax
from jax.experimental import pallas as pl
from jax.experimental.pallas import tpu as pltpu
from jax.experimental.pallas import tpu_sc as plsc

_REDUCTION_RATE = 0.9
_L = 16


def _mo8(x):
    return pl.multiple_of(x, 8)


def _build(B, N, D, H):
    M = max(1, int(N * (1.0 - _REDUCTION_RATE)))
    n_ch = -(-M // _L)
    m_pad = -(-M // 8) * 8
    tail_off = m_pad - _L
    rows_total = B * H
    rows_per_tile = rows_total // _L
    nvec = N // _L
    cols_per_tile = 128
    red_tiles = N // cols_per_tile
    mesh = plsc.VectorSubcoreMesh(core_axis_name="c", subcore_axis_name="s")

    @functools.partial(
        pl.kernel,
        out_type=jax.ShapeDtypeStruct((B, m_pad, D), jnp.float32),
        mesh=mesh,
        scratch_types=[
            pltpu.VMEM((rows_per_tile, N), jnp.float32),
            pltpu.VMEM((N,), jnp.float32),
            pltpu.VMEM((_L, 128), jnp.float32),
            pltpu.VMEM((128,), jnp.float32),
            pltpu.VMEM((N,), jnp.float32),
            pltpu.VMEM((N,), jnp.int32),
            pltpu.VMEM((128,), jnp.int32),
            pltpu.VMEM((_L,), jnp.int32),
            pltpu.VMEM((_L, D), jnp.float32),
            pltpu.VMEM_SHARED((_L, N), jnp.float32),
            pltpu.VMEM_SHARED((N,), jnp.float32),
            pltpu.VMEM_SHARED((m_pad,), jnp.int32),
            pltpu.SemaphoreType.DMA,
        ],
        compiler_params=pltpu.CompilerParams(needs_layout_passes=False),
    )
    def k(cls_hbm, vt_hbm, out_hbm, row4_v, part_v, sub_v, loc_v, scores_v,
          keys_v, kept_v, idx16_v, rows_v, shared_part, shared_scores,
          shared_idx, sem):
        cid = lax.axis_index("c")
        sid = lax.axis_index("s")

        copies = []
        for j in range(rows_per_tile):
            r = sid * rows_per_tile + j
            copies.append(
                pltpu.async_copy(cls_hbm.at[pl.ds(_mo8(r * N), N)],
                                 row4_v.at[j], sem))
        for c in copies:
            c.wait()

        def _sum_chunk(c, _):
            sl = pl.ds(c * _L, _L)
            acc = row4_v[0, sl]
            for j in range(1, rows_per_tile):
                acc = acc + row4_v[j, sl]
            part_v[sl] = acc
            return 0

        lax.fori_loop(0, nvec, _sum_chunk, 0)
        pltpu.sync_copy(part_v, shared_part.at[sid])
        plsc.subcore_barrier()

        @pl.when(sid < red_tiles)
        def _reduce():
            col0 = pl.multiple_of(sid * cols_per_tile, cols_per_tile)
            pltpu.sync_copy(shared_part.at[:, pl.ds(col0, cols_per_tile)],
                            sub_v)
            def _red_chunk(c, _):
                sl = pl.ds(c * _L, _L)
                acc = sub_v[0, sl]
                for t in range(1, _L):
                    acc = acc + sub_v[t, sl]
                loc_v[sl] = acc
                return 0

            lax.fori_loop(0, cols_per_tile // _L, _red_chunk, 0)
            pltpu.sync_copy(loc_v,
                            shared_scores.at[pl.ds(_mo8(col0),
                                                   cols_per_tile)])

        plsc.subcore_barrier()

        @pl.when(sid == 0)
        def _select():
            pltpu.sync_copy(shared_scores, scores_v)

            def _key_chunk(c, acc):
                sl = pl.ds(c * _L, _L)
                iv = lax.bitcast_convert_type(scores_v[sl], jnp.int32)
                key = jnp.where(iv >= 0, iv, iv ^ jnp.int32(0x7FFFFFFF))
                keys_v[sl] = key
                return acc + jnp.where(key >= 0, 1, 0).astype(jnp.int32)

            cnt_pos = jnp.sum(
                lax.fori_loop(0, nvec, _key_chunk,
                              jnp.zeros((_L,), jnp.int32)))

            def count_ge(thresh):
                acc = jnp.zeros((_L,), jnp.int32)
                for c in range(nvec):
                    kv = keys_v[pl.ds(c * _L, _L)]
                    acc = acc + jnp.where(kv >= thresh, 1, 0).astype(jnp.int32)
                return jnp.sum(acc)

            pos_bucket = cnt_pos >= M
            lo0 = jnp.where(pos_bucket, jnp.int32(0), jnp.int32(-(2**31)))
            hi0 = jnp.where(pos_bucket, jnp.int32(2**31 - 1), jnp.int32(-1))

            def bis(_, carry):
                lo, hi = carry
                mid = lo + 1 + ((hi - lo - 1) >> 1)
                ge = count_ge(mid) >= M
                return (jnp.where(ge, mid, lo), jnp.where(ge, hi, mid - 1))

            v_key, _ = lax.fori_loop(0, 31, bis, (lo0, hi0))

            def _gt_chunk(c, acc):
                kv = keys_v[pl.ds(c * _L, _L)]
                return acc + jnp.where(kv > v_key, 1, 0).astype(jnp.int32)

            need_eq = M - jnp.sum(
                lax.fori_loop(0, nvec, _gt_chunk,
                              jnp.zeros((_L,), jnp.int32)))

            def _zero_chunk(c, _):
                kept_v[pl.ds(c * _L, _L)] = jnp.zeros((_L,), jnp.int32)
                return 0

            lax.fori_loop(0, 128 // _L, _zero_chunk, 0)

            def _compact(c, carry):
                pos, eq_used = carry
                kv = keys_v[pl.ds(c * _L, _L)]
                idxs = lax.iota(jnp.int32, _L) + c * _L
                gt = kv > v_key
                eq = kv == v_key
                eq_i = eq.astype(jnp.int32)
                pref = plsc.cumsum(eq_i)
                ties_before = eq_used + pref - eq_i
                keep = gt | (eq & (ties_before < need_eq))
                plsc.store_compressed(kept_v.at[pl.ds(pos, _L)], idxs,
                                      mask=keep)
                return (pos + jnp.sum(keep.astype(jnp.int32)),
                        eq_used + jnp.sum(eq_i))

            lax.fori_loop(0, nvec, _compact, (jnp.int32(0), jnp.int32(0)))
            pltpu.sync_copy(kept_v.at[pl.ds(0, m_pad)], shared_idx)

        plsc.subcore_barrier()

        bpc = B // 2

        @pl.when(sid < bpc * n_ch)
        def _gather():
            b = cid * bpc + sid // n_ch
            ch = lax.rem(sid, n_ch)
            row_off = _mo8(jnp.where(ch == n_ch - 1, tail_off, ch * _L))
            pltpu.sync_copy(shared_idx.at[pl.ds(row_off, _L)], idx16_v)
            gidx = idx16_v[...] + b * N
            pltpu.async_copy(vt_hbm.at[gidx], rows_v, sem).wait()
            pltpu.sync_copy(rows_v, out_hbm.at[b, pl.ds(row_off, _L)])

    return k


def kernel(visual_tokens, attention_weights):
    B, N, D = visual_tokens.shape
    H = attention_weights.shape[1]
    cls_rows = attention_weights[:, :, 0, 1:].reshape(B * H * N)
    vt2 = visual_tokens.reshape(B * N, D)
    M = max(1, int(N * (1.0 - _REDUCTION_RATE)))
    return _build(B, N, D, H)(cls_rows, vt2)[:, :M, :]

# --- scband reference (transcript-rebuilt; emitter-appended) ---
"""Pipeline reference for scband-faster-vlm-62551903699025 (READ-ONLY COPY).

The authoritative reference and input builder live on the scoring server;
editing this copy changes nothing except your own understanding.
"""

import jax, jax.numpy as jnp
import numpy as np

REDUCTION_RATE = 0.9
CLS_IDX = 0


def setup_inputs(seed: int = 0) -> dict:
    key = jax.random.key(seed)
    k1, k2 = jax.random.split(key)
    visual_tokens = jax.random.normal(k1, (4, 1024, 768), dtype=jnp.float32)
    attention_weights = jax.random.uniform(k2, (4, 16, 1025, 1025), dtype=jnp.float32)
    return {"visual_tokens": visual_tokens, "attention_weights": attention_weights}


def reference(visual_tokens, attention_weights):
    # compute_cls_attention_scores: mean over (batch, heads), take CLS row, drop CLS col
    attn = attention_weights.mean(axis=(0, 1))  # (N+1, N+1)
    cls_attention = attn[CLS_IDX]               # (N+1,)
    scores = jnp.concatenate([cls_attention[:CLS_IDX], cls_attention[CLS_IDX + 1:]])  # (N,)
    # prune_visual_tokens with method='topk'
    N = visual_tokens.shape[1]
    M = max(1, int(N * (1.0 - REDUCTION_RATE)))
    _, kept_indices = jax.lax.top_k(scores, M)
    kept_indices = jnp.sort(kept_indices)
    pruned_tokens = visual_tokens[:, kept_indices, :]  # (batch, M, dim)
    return pruned_tokens

if __name__ == "__main__":
    import jax
    _d = setup_inputs()
    print(jax.jit(kernel)(*tuple(_d.values())))

</pallas_src>

<mosaic_0001>
#map = affine_map<(d0, d1) -> (0)>
#map1 = affine_map<(d0, d1) -> (0, 0)>
#map2 = affine_map<(d0, d1) -> (0, 0, 0)>
module attributes {stable_mosaic.version = 14 : i64} {
  func.func @k(%arg0: i32, %arg1: i32, %arg2: memref<65536xf32, #tpu.memory_space<hbm>>, %arg3: memref<4096x768xf32, #tpu.memory_space<hbm>>, %arg4: memref<4x104x768xf32, #tpu.memory_space<hbm>>, %arg5: memref<4x1024xf32, #tpu.memory_space<vmem>>, %arg6: memref<1024xf32, #tpu.memory_space<vmem>>, %arg7: memref<16x128xf32, #tpu.memory_space<vmem>>, %arg8: memref<128xf32, #tpu.memory_space<vmem>>, %arg9: memref<1024xf32, #tpu.memory_space<vmem>>, %arg10: memref<1024xi32, #tpu.memory_space<vmem>>, %arg11: memref<128xi32, #tpu.memory_space<vmem>>, %arg12: memref<16xi32, #tpu.memory_space<vmem>>, %arg13: memref<16x768xf32, #tpu.memory_space<vmem>>, %arg14: memref<16x1024xf32, #tpu.memory_space<vmem_shared>>, %arg15: memref<1024xf32, #tpu.memory_space<vmem_shared>>, %arg16: memref<104xi32, #tpu.memory_space<vmem_shared>>, %arg17: memref<!tpu.dma_semaphore, #tpu.memory_space<semaphore_mem>>) attributes {dimension_semantics = [#tpu.dimension_semantics<core_parallel>, #tpu.dimension_semantics<subcore_parallel>], iteration_bounds = array<i64: 2, 16>, scalar_prefetch = 0 : i64, scratch_operands = 13 : i64, tpu.core_type = #tpu.core_type<sc_vector_subcore>, window_params = [{transform_indices = #map}, {transform_indices = #map1}, {transform_indices = #map2}]} {
    %mul3A = arith.constant 4 : i32
    %mul3A_0 = arith.muli %arg1, %mul3A : i32
    %add3A = arith.constant 0 : i32
    %add3A_1 = arith.addi %mul3A_0, %add3A : i32
    %mul3A_2 = arith.constant 1024 : i32
    %mul3A_3 = arith.muli %add3A_1, %mul3A_2 : i32
    %multiple_of3A = tpu.assume_multiple %mul3A_3, 8 : i32
    %dma_start3A = arith.constant 0 : i32
    %dma_start3A_4 = arith.constant 0 : i32
    %dma_start3A_5 = tpu.memref_slice %arg5[%dma_start3A, %dma_start3A_4] : memref<4x1024xf32, #tpu.memory_space<vmem>> -> memref<1x1024xf32, #tpu.memory_space<vmem>>
    %dma_start3A_6 = tpu.memref_squeeze %dma_start3A_5 : memref<1x1024xf32, #tpu.memory_space<vmem>> -> memref<1024xf32, #tpu.memory_space<vmem>>
    %dma_start3A_7 = tpu.memref_slice %arg2[%multiple_of3A] : memref<65536xf32, #tpu.memory_space<hbm>> -> memref<1024xf32, #tpu.memory_space<hbm>>
    %dma_start3A_8 = arith.constant 0 : i32
    %dma_start3A_9 = tpu.memref_slice %arg5[%dma_start3A, %dma_start3A_8] : memref<4x1024xf32, #tpu.memory_space<vmem>> -> memref<1x1024xf32, #tpu.memory_space<vmem>>
    %dma_start3A_10 = tpu.memref_squeeze %dma_start3A_9 : memref<1x1024xf32, #tpu.memory_space<vmem>> -> memref<1024xf32, #tpu.memory_space<vmem>>
    %dma_start3A_11 = tpu.memref_slice %arg2[%multiple_of3A] : memref<65536xf32, #tpu.memory_space<hbm>> -> memref<1024xf32, #tpu.memory_space<hbm>>
    tpu.enqueue_dma source(%dma_start3A_11 : memref<1024xf32, #tpu.memory_space<hbm>>) target(%dma_start3A_10 : memref<1024xf32, #tpu.memory_space<vmem>>) target_semaphore(%arg17 : memref<!tpu.dma_semaphore, #tpu.memory_space<semaphore_mem>>)
    %mul3A_12 = arith.constant 4 : i32
    %mul3A_13 = arith.muli %arg1, %mul3A_12 : i32
    %add3A_14 = arith.constant 1 : i32
    %add3A_15 = arith.addi %mul3A_13, %add3A_14 : i32
    %mul3A_16 = arith.constant 1024 : i32
    %mul3A_17 = arith.muli %add3A_15, %mul3A_16 : i32
    %multiple_of3A_18 = tpu.assume_multiple %mul3A_17, 8 : i32
    %dma_start3A_19 = arith.constant 1 : i32
    %dma_start3A_20 = arith.constant 0 : i32
    %dma_start3A_21 = tpu.memref_slice %arg5[%dma_start3A_19, %dma_start3A_20] : memref<4x1024xf32, #tpu.memory_space<vmem>> -> memref<1x1024xf32, #tpu.memory_space<vmem>>
    %dma_start3A_22 = tpu.memref_squeeze %dma_start3A_21 : memref<1x1024xf32, #tpu.memory_space<vmem>> -> memref<1024xf32, #tpu.memory_space<vmem>>
    %dma_start3A_23 = tpu.memref_slice %arg2[%multiple_of3A_18] : memref<65536xf32, #tpu.memory_space<hbm>> -> memref<1024xf32, #tpu.memory_space<hbm>>
    %dma_start3A_24 = arith.constant 0 : i32
    %dma_start3A_25 = tpu.memref_slice %arg5[%dma_start3A_19, %dma_start3A_24] : memref<4x1024xf32, #tpu.memory_space<vmem>> -> memref<1x1024xf32, #tpu.memory_space<vmem>>
    %dma_start3A_26 = tpu.memref_squeeze %dma_start3A_25 : memref<1x1024xf32, #tpu.memory_space<vmem>> -> memref<1024xf32, #tpu.memory_space<vmem>>
    %dma_start3A_27 = tpu.memref_slice %arg2[%multiple_of3A_18] : memref<65536xf32, #tpu.memory_space<hbm>> -> memref<1024xf32, #tpu.memory_space<hbm>>
    tpu.enqueue_dma source(%dma_start3A_27 : memref<1024xf32, #tpu.memory_space<hbm>>) target(%dma_start3A_26 : memref<1024xf32, #tpu.memory_space<vmem>>) target_semaphore(%arg17 : memref<!tpu.dma_semaphore, #tpu.memory_space<semaphore_mem>>)
    %mul3A_28 = arith.constant 4 : i32
    %mul3A_29 = arith.muli %arg1, %mul3A_28 : i32
    %add3A_30 = arith.constant 2 : i32
    %add3A_31 = arith.addi %mul3A_29, %add3A_30 : i32
    %mul3A_32 = arith.constant 1024 : i32
    %mul3A_33 = arith.muli %add3A_31, %mul3A_32 : i32
    %multiple_of3A_34 = tpu.assume_multiple %mul3A_33, 8 : i32
    %dma_start3A_35 = arith.constant 2 : i32
    %dma_start3A_36 = arith.constant 0 : i32
    %dma_start3A_37 = tpu.memref_slice %arg5[%dma_start3A_35, %dma_start3A_36] : memref<4x1024xf32, #tpu.memory_space<vmem>> -> memref<1x1024xf32, #tpu.memory_space<vmem>>
    %dma_start3A_38 = tpu.memref_squeeze %dma_start3A_37 : memref<1x1024xf32, #tpu.memory_space<vmem>> -> memref<1024xf32, #tpu.memory_space<vmem>>
    %dma_start3A_39 = tpu.memref_slice %arg2[%multiple_of3A_34] : memref<65536xf32, #tpu.memory_space<hbm>> -> memref<1024xf32, #tpu.memory_space<hbm>>
    %dma_start3A_40 = arith.constant 0 : i32
    %dma_start3A_41 = tpu.memref_slice %arg5[%dma_start3A_35, %dma_start3A_40] : memref<4x1024xf32, #tpu.memory_space<vmem>> -> memref<1x1024xf32, #tpu.memory_space<vmem>>
    %dma_start3A_42 = tpu.memref_squeeze %dma_start3A_41 : memref<1x1024xf32, #tpu.memory_space<vmem>> -> memref<1024xf32, #tpu.memory_space<vmem>>
    %dma_start3A_43 = tpu.memref_slice %arg2[%multiple_of3A_34] : memref<65536xf32, #tpu.memory_space<hbm>> -> memref<1024xf32, #tpu.memory_space<hbm>>
    tpu.enqueue_dma source(%dma_start3A_43 : memref<1024xf32, #tpu.memory_space<hbm>>) target(%dma_start3A_42 : memref<1024xf32, #tpu.memory_space<vmem>>) target_semaphore(%arg17 : memref<!tpu.dma_semaphore, #tpu.memory_space<semaphore_mem>>)
    %mul3A_44 = arith.constant 4 : i32
    %mul3A_45 = arith.muli %arg1, %mul3A_44 : i32
    %add3A_46 = arith.constant 3 : i32
    %add3A_47 = arith.addi %mul3A_45, %add3A_46 : i32
    %mul3A_48 = arith.constant 1024 : i32
    %mul3A_49 = arith.muli %add3A_47, %mul3A_48 : i32
    %multiple_of3A_50 = tpu.assume_multiple %mul3A_49, 8 : i32
    %dma_start3A_51 = arith.constant 3 : i32
    %dma_start3A_52 = arith.constant 0 : i32
    %dma_start3A_53 = tpu.memref_slice %arg5[%dma_start3A_51, %dma_start3A_52] : memref<4x1024xf32, #tpu.memory_space<vmem>> -> memref<1x1024xf32, #tpu.memory_space<vmem>>
    %dma_start3A_54 = tpu.memref_squeeze %dma_start3A_53 : memref<1x1024xf32, #tpu.memory_space<vmem>> -> memref<1024xf32, #tpu.memory_space<vmem>>
    %dma_start3A_55 = tpu.memref_slice %arg2[%multiple_of3A_50] : memref<65536xf32, #tpu.memory_space<hbm>> -> memref<1024xf32, #tpu.memory_space<hbm>>
    %dma_start3A_56 = arith.constant 0 : i32
    %dma_start3A_57 = tpu.memref_slice %arg5[%dma_start3A_51, %dma_start3A_56] : memref<4x1024xf32, #tpu.memory_space<vmem>> -> memref<1x1024xf32, #tpu.memory_space<vmem>>
    %dma_start3A_58 = tpu.memref_squeeze %dma_start3A_57 : memref<1x1024xf32, #tpu.memory_space<vmem>> -> memref<1024xf32, #tpu.memory_space<vmem>>
    %dma_start3A_59 = tpu.memref_slice %arg2[%multiple_of3A_50] : memref<65536xf32, #tpu.memory_space<hbm>> -> memref<1024xf32, #tpu.memory_space<hbm>>
    tpu.enqueue_dma source(%dma_start3A_59 : memref<1024xf32, #tpu.memory_space<hbm>>) target(%dma_start3A_58 : memref<1024xf32, #tpu.memory_space<vmem>>) target_semaphore(%arg17 : memref<!tpu.dma_semaphore, #tpu.memory_space<semaphore_mem>>)
    %dma_wait3A = arith.constant 0 : i32
    %dma_wait3A_60 = arith.constant 0 : i32
    %dma_wait3A_61 = tpu.memref_slice %arg5[%dma_wait3A, %dma_wait3A_60] : memref<4x1024xf32, #tpu.memory_space<vmem>> -> memref<1x1024xf32, #tpu.memory_space<vmem>>
    %dma_wait3A_62 = tpu.memref_squeeze %dma_wait3A_61 : memref<1x1024xf32, #tpu.memory_space<vmem>> -> memref<1024xf32, #tpu.memory_space<vmem>>
    %dma_wait3A_63 = tpu.memref_slice %arg2[%multiple_of3A] : memref<65536xf32, #tpu.memory_space<hbm>> -> memref<1024xf32, #tpu.memory_space<hbm>>
    %dma_wait3A_64 = arith.constant 0 : i32
    %dma_wait3A_65 = tpu.memref_slice %arg5[%dma_wait3A, %dma_wait3A_64] : memref<4x1024xf32, #tpu.memory_space<vmem>> -> memref<1x1024xf32, #tpu.memory_space<vmem>>
    %dma_wait3A_66 = tpu.memref_squeeze %dma_wait3A_65 : memref<1x1024xf32, #tpu.memory_space<vmem>> -> memref<1024xf32, #tpu.memory_space<vmem>>
    %dma_wait3A_67 = tpu.memref_slice %arg2[%multiple_of3A] : memref<65536xf32, #tpu.memory_space<hbm>> -> memref<1024xf32, #tpu.memory_space<hbm>>
    tpu.wait_dma2 semaphore(%arg17 : memref<!tpu.dma_semaphore, #tpu.memory_space<semaphore_mem>>) src(%dma_wait3A_67 : memref<1024xf32, #tpu.memory_space<hbm>>) dst(%dma_wait3A_66 : memref<1024xf32, #tpu.memory_space<vmem>>)
    %dma_wait3A_68 = arith.constant 1 : i32
    %dma_wait3A_69 = arith.constant 0 : i32
    %dma_wait3A_70 = tpu.memref_slice %arg5[%dma_wait3A_68, %dma_wait3A_69] : memref<4x1024xf32, #tpu.memory_space<vmem>> -> memref<1x1024xf32, #tpu.memory_space<vmem>>
    %dma_wait3A_71 = tpu.memref_squeeze %dma_wait3A_70 : memref<1x1024xf32, #tpu.memory_space<vmem>> -> memref<1024xf32, #tpu.memory_space<vmem>>
    %dma_wait3A_72 = tpu.memref_slice %arg2[%multiple_of3A_18] : memref<65536xf32, #tpu.memory_space<hbm>> -> memref<1024xf32, #tpu.memory_space<hbm>>
    %dma_wait3A_73 = arith.constant 0 : i32
    %dma_wait3A_74 = tpu.memref_slice %arg5[%dma_wait3A_68, %dma_wait3A_73] : memref<4x1024xf32, #tpu.memory_space<vmem>> -> memref<1x1024xf32, #tpu.memory_space<vmem>>
    %dma_wait3A_75 = tpu.memref_squeeze %dma_wait3A_74 : memref<1x1024xf32, #tpu.memory_space<vmem>> -> memref<1024xf32, #tpu.memory_space<vmem>>
    %dma_wait3A_76 = tpu.memref_slice %arg2[%multiple_of3A_18] : memref<65536xf32, #tpu.memory_space<hbm>> -> memref<1024xf32, #tpu.memory_space<hbm>>
    tpu.wait_dma2 semaphore(%arg17 : memref<!tpu.dma_semaphore, #tpu.memory_space<semaphore_mem>>) src(%dma_wait3A_76 : memref<1024xf32, #tpu.memory_space<hbm>>) dst(%dma_wait3A_75 : memref<1024xf32, #tpu.memory_space<vmem>>)
    %dma_wait3A_77 = arith.constant 2 : i32
    %dma_wait3A_78 = arith.constant 0 : i32
    %dma_wait3A_79 = tpu.memref_slice %arg5[%dma_wait3A_77, %dma_wait3A_78] : memref<4x1024xf32, #tpu.memory_space<vmem>> -> memref<1x1024xf32, #tpu.memory_space<vmem>>
    %dma_wait3A_80 = tpu.memref_squeeze %dma_wait3A_79 : memref<1x1024xf32, #tpu.memory_space<vmem>> -> memref<1024xf32, #tpu.memory_space<vmem>>
    %dma_wait3A_81 = tpu.memref_slice %arg2[%multiple_of3A_34] : memref<65536xf32, #tpu.memory_space<hbm>> -> memref<1024xf32, #tpu.memory_space<hbm>>
    %dma_wait3A_82 = arith.constant 0 : i32
    %dma_wait3A_83 = tpu.memref_slice %arg5[%dma_wait3A_77, %dma_wait3A_82] : memref<4x1024xf32, #tpu.memory_space<vmem>> -> memref<1x1024xf32, #tpu.memory_space<vmem>>
    %dma_wait3A_84 = tpu.memref_squeeze %dma_wait3A_83 : memref<1x1024xf32, #tpu.memory_space<vmem>> -> memref<1024xf32, #tpu.memory_space<vmem>>
    %dma_wait3A_85 = tpu.memref_slice %arg2[%multiple_of3A_34] : memref<65536xf32, #tpu.memory_space<hbm>> -> memref<1024xf32, #tpu.memory_space<hbm>>
    tpu.wait_dma2 semaphore(%arg17 : memref<!tpu.dma_semaphore, #tpu.memory_space<semaphore_mem>>) src(%dma_wait3A_85 : memref<1024xf32, #tpu.memory_space<hbm>>) dst(%dma_wait3A_84 : memref<1024xf32, #tpu.memory_space<vmem>>)
    %dma_wait3A_86 = arith.constant 3 : i32
    %dma_wait3A_87 = arith.constant 0 : i32
    %dma_wait3A_88 = tpu.memref_slice %arg5[%dma_wait3A_86, %dma_wait3A_87] : memref<4x1024xf32, #tpu.memory_space<vmem>> -> memref<1x1024xf32, #tpu.memory_space<vmem>>
    %dma_wait3A_89 = tpu.memref_squeeze %dma_wait3A_88 : memref<1x1024xf32, #tpu.memory_space<vmem>> -> memref<1024xf32, #tpu.memory_space<vmem>>
    %dma_wait3A_90 = tpu.memref_slice %arg2[%multiple_of3A_50] : memref<65536xf32, #tpu.memory_space<hbm>> -> memref<1024xf32, #tpu.memory_space<hbm>>
    %dma_wait3A_91 = arith.constant 0 : i32
    %dma_wait3A_92 = tpu.memref_slice %arg5[%dma_wait3A_86, %dma_wait3A_91] : memref<4x1024xf32, #tpu.memory_space<vmem>> -> memref<1x1024xf32, #tpu.memory_space<vmem>>
    %dma_wait3A_93 = tpu.memref_squeeze %dma_wait3A_92 : memref<1x1024xf32, #tpu.memory_space<vmem>> -> memref<1024xf32, #tpu.memory_space<vmem>>
    %dma_wait3A_94 = tpu.memref_slice %arg2[%multiple_of3A_50] : memref<65536xf32, #tpu.memory_space<hbm>> -> memref<1024xf32, #tpu.memory_space<hbm>>
    tpu.wait_dma2 semaphore(%arg17 : memref<!tpu.dma_semaphore, #tpu.memory_space<semaphore_mem>>) src(%dma_wait3A_94 : memref<1024xf32, #tpu.memory_space<hbm>>) dst(%dma_wait3A_93 : memref<1024xf32, #tpu.memory_space<vmem>>)
    %scan3A = arith.constant 0 : i32
    %scan3A_95 = arith.constant 0 : i32
    %scan3A_96 = arith.constant 64 : i32
    %scan3A_97 = arith.addi %scan3A_95, %scan3A_96 : i32
    %scan3A_98 = arith.constant 1 : i32
    %scan3A_99 = scf.for %scan3A_114 = %scan3A_95 to %scan3A_97 step %scan3A_98 iter_args(%scan3A_115 = %scan3A) -> (i32)  : i32 {
      %mul3A_116 = arith.constant 16 : i32
      %mul3A_117 = arith.muli %scan3A_114, %mul3A_116 : i32
      %get3A = arith.constant 0 : i32
      %get3A_118 = arith.index_cast %get3A : i32 to index
      %get3A_119 = arith.index_cast %mul3A_117 : i32 to index
      %get3A_120 = tpu.vector_load %arg5[%get3A_118, %get3A_119] {strides = array<i32>} : memref<4x1024xf32, #tpu.memory_space<vmem>>, vector<16xf32>,
      %get3A_121 = arith.constant 1 : i32
      %get3A_122 = arith.index_cast %get3A_121 : i32 to index
      %get3A_123 = arith.index_cast %mul3A_117 : i32 to index
      %get3A_124 = tpu.vector_load %arg5[%get3A_122, %get3A_123] {strides = array<i32>} : memref<4x1024xf32, #tpu.memory_space<vmem>>, vector<16xf32>,
      %add3A_125 = arith.addf %get3A_120, %get3A_124 : vector<16xf32>
      %get3A_126 = arith.constant 2 : i32
      %get3A_127 = arith.index_cast %get3A_126 : i32 to index
      %get3A_128 = arith.index_cast %mul3A_117 : i32 to index
      %get3A_129 = tpu.vector_load %arg5[%get3A_127, %get3A_128] {strides = array<i32>} : memref<4x1024xf32, #tpu.memory_space<vmem>>, vector<16xf32>,
      %add3A_130 = arith.addf %add3A_125, %get3A_129 : vector<16xf32>
      %get3A_131 = arith.constant 3 : i32
      %get3A_132 = arith.index_cast %get3A_131 : i32 to index
      %get3A_133 = arith.index_cast %mul3A_117 : i32 to index
      %get3A_134 = tpu.vector_load %arg5[%get3A_132, %get3A_133] {strides = array<i32>} : memref<4x1024xf32, #tpu.memory_space<vmem>>, vector<16xf32>,
      %add3A_135 = arith.addf %add3A_130, %get3A_134 : vector<16xf32>
      %swap3A = arith.index_cast %mul3A_117 : i32 to index
      %swap3A_136 = tpu.vector_load %arg6[%swap3A] {strides = array<i32>} : memref<1024xf32, #tpu.memory_space<vmem>>, vector<16xf32>,
      tpu.vector_store %arg6[%swap3A], %add3A_135 {strides = array<i32>} : memref<1024xf32, #tpu.memory_space<vmem>>, vector<16xf32>,
      %scan3A_137 = arith.constant 0 : i32
      scf.yield %scan3A_137 : i32
    }
    %scan3A_100 = arith.constant 64 : i32
    "tpu.region"() ({
      %run_scoped3A = tpu.sem_alloc : memref<!tpu.dma_semaphore, #tpu.memory_space<semaphore_mem>>
      %dma_start3A_114 = arith.constant 0 : i32
      %dma_start3A_115 = tpu.memref_slice %arg14[%arg1, %dma_start3A_114] : memref<16x1024xf32, #tpu.memory_space<vmem_shared>> -> memref<1x1024xf32, #tpu.memory_space<vmem_shared>>
      %dma_start3A_116 = tpu.memref_squeeze %dma_start3A_115 : memref<1x1024xf32, #tpu.memory_space<vmem_shared>> -> memref<1024xf32, #tpu.memory_space<vmem_shared>>
      %dma_start3A_117 = arith.constant 0 : i32
      %dma_start3A_118 = tpu.memref_slice %arg14[%arg1, %dma_start3A_117] : memref<16x1024xf32, #tpu.memory_space<vmem_shared>> -> memref<1x1024xf32, #tpu.memory_space<vmem_shared>>
      %dma_start3A_119 = tpu.memref_squeeze %dma_start3A_118 : memref<1x1024xf32, #tpu.memory_space<vmem_shared>> -> memref<1024xf32, #tpu.memory_space<vmem_shared>>
      tpu.enqueue_dma source(%arg6 : memref<1024xf32, #tpu.memory_space<vmem>>) target(%dma_start3A_119 : memref<1024xf32, #tpu.memory_space<vmem_shared>>) target_semaphore(%run_scoped3A : memref<!tpu.dma_semaphore, #tpu.memory_space<semaphore_mem>>)
      %dma_wait3A_120 = arith.constant 0 : i32
      %dma_wait3A_121 = tpu.memref_slice %arg14[%arg1, %dma_wait3A_120] : memref<16x1024xf32, #tpu.memory_space<vmem_shared>> -> memref<1x1024xf32, #tpu.memory_space<vmem_shared>>
      %dma_wait3A_122 = tpu.memref_squeeze %dma_wait3A_121 : memref<1x1024xf32, #tpu.memory_space<vmem_shared>> -> memref<1024xf32, #tpu.memory_space<vmem_shared>>
      %dma_wait3A_123 = arith.constant 0 : i32
      %dma_wait3A_124 = tpu.memref_slice %arg14[%arg1, %dma_wait3A_123] : memref<16x1024xf32, #tpu.memory_space<vmem_shared>> -> memref<1x1024xf32, #tpu.memory_space<vmem_shared>>
      %dma_wait3A_125 = tpu.memref_squeeze %dma_wait3A_124 : memref<1x1024xf32, #tpu.memory_space<vmem_shared>> -> memref<1024xf32, #tpu.memory_space<vmem_shared>>
      tpu.wait_dma2 semaphore(%run_scoped3A : memref<!tpu.dma_semaphore, #tpu.memory_space<semaphore_mem>>) src(%arg6 : memref<1024xf32, #tpu.memory_space<vmem>>) dst(%dma_wait3A_125 : memref<1024xf32, #tpu.memory_space<vmem_shared>>)
      tpu.yield
    }) : () -> ()
    %barrier3A = arith.constant 0 : index
    tpu.barrier barrier_id(%barrier3A)
    %lt3A = arith.constant 8 : i32
    %lt3A_101 = arith.cmpi slt, %arg1, %lt3A : i32
    %convert_element_type3A = arith.extui %lt3A_101 : i1 to i32
    %cond3A = arith.constant 0 : i32
    %cond3A_102 = arith.cmpi ne, %convert_element_type3A, %cond3A : i32
    scf.if %cond3A_102 {
      %mul3A_114 = arith.constant 128 : i32
      %mul3A_115 = arith.muli %arg1, %mul3A_114 : i32
      %multiple_of3A_116 = tpu.assume_multiple %mul3A_115, 128 : i32
      "tpu.region"() ({
        %run_scoped3A = tpu.sem_alloc : memref<!tpu.dma_semaphore, #tpu.memory_space<semaphore_mem>>
        %dma_start3A_125 = arith.constant 0 : i32
        %dma_start3A_126 = tpu.memref_slice %arg14[%dma_start3A_125, %multiple_of3A_116] : memref<16x1024xf32, #tpu.memory_space<vmem_shared>> -> memref<16x128xf32, #tpu.memory_space<vmem_shared>>
        %dma_start3A_127 = arith.constant 0 : i32
        %dma_start3A_128 = tpu.memref_slice %arg14[%dma_start3A_127, %multiple_of3A_116] : memref<16x1024xf32, #tpu.memory_space<vmem_shared>> -> memref<16x128xf32, #tpu.memory_space<vmem_shared>>
        tpu.enqueue_dma source(%dma_start3A_128 : memref<16x128xf32, #tpu.memory_space<vmem_shared>>) target(%arg7 : memref<16x128xf32, #tpu.memory_space<vmem>>) target_semaphore(%run_scoped3A : memref<!tpu.dma_semaphore, #tpu.memory_space<semaphore_mem>>)
        %dma_wait3A_129 = arith.constant 0 : i32
        %dma_wait3A_130 = tpu.memref_slice %arg14[%dma_wait3A_129, %multiple_of3A_116] : memref<16x1024xf32, #tpu.memory_space<vmem_shared>> -> memref<16x128xf32, #tpu.memory_space<vmem_shared>>
        %dma_wait3A_131 = arith.constant 0 : i32
        %dma_wait3A_132 = tpu.memref_slice %arg14[%dma_wait3A_131, %multiple_of3A_116] : memref<16x1024xf32, #tpu.memory_space<vmem_shared>> -> memref<16x128xf32, #tpu.memory_space<vmem_shared>>
        tpu.wait_dma2 semaphore(%run_scoped3A : memref<!tpu.dma_semaphore, #tpu.memory_space<semaphore_mem>>) src(%dma_wait3A_132 : memref<16x128xf32, #tpu.memory_space<vmem_shared>>) dst(%arg7 : memref<16x128xf32, #tpu.memory_space<vmem>>)
        tpu.yield
      }) : () -> ()
      %scan3A_117 = arith.constant 0 : i32
      %scan3A_118 = arith.constant 0 : i32
      %scan3A_119 = arith.constant 8 : i32
      %scan3A_120 = arith.addi %scan3A_118, %scan3A_119 : i32
      %scan3A_121 = arith.constant 1 : i32
      %scan3A_122 = scf.for %scan3A_125 = %scan3A_118 to %scan3A_120 step %scan3A_121 iter_args(%scan3A_126 = %scan3A_117) -> (i32)  : i32 {
        %mul3A_127 = arith.constant 16 : i32
        %mul3A_128 = arith.muli %scan3A_125, %mul3A_127 : i32
        %get3A = arith.constant 0 : i32
        %get3A_129 = arith.index_cast %get3A : i32 to index
        %get3A_130 = arith.index_cast %mul3A_128 : i32 to index
        %get3A_131 = tpu.vector_load %arg7[%get3A_129, %get3A_130] {strides = array<i32>} : memref<16x128xf32, #tpu.memory_space<vmem>>, vector<16xf32>,
        %get3A_132 = arith.constant 1 : i32
        %get3A_133 = arith.index_cast %get3A_132 : i32 to index
        %get3A_134 = arith.index_cast %mul3A_128 : i32 to index
        %get3A_135 = tpu.vector_load %arg7[%get3A_133, %get3A_134] {strides = array<i32>} : memref<16x128xf32, #tpu.memory_space<vmem>>, vector<16xf32>,
        %add3A_136 = arith.addf %get3A_131, %get3A_135 : vector<16xf32>
        %get3A_137 = arith.constant 2 : i32
        %get3A_138 = arith.index_cast %get3A_137 : i32 to index
        %get3A_139 = arith.index_cast %mul3A_128 : i32 to index
        %get3A_140 = tpu.vector_load %arg7[%get3A_138, %get3A_139] {strides = array<i32>} : memref<16x128xf32, #tpu.memory_space<vmem>>, vector<16xf32>,
        %add3A_141 = arith.addf %add3A_136, %get3A_140 : vector<16xf32>
        %get3A_142 = arith.constant 3 : i32
        %get3A_143 = arith.index_cast %get3A_142 : i32 to index
        %get3A_144 = arith.index_cast %mul3A_128 : i32 to index
        %get3A_145 = tpu.vector_load %arg7[%get3A_143, %get3A_144] {strides = array<i32>} : memref<16x128xf32, #tpu.memory_space<vmem>>, vector<16xf32>,
        %add3A_146 = arith.addf %add3A_141, %get3A_145 : vector<16xf32>
        %get3A_147 = arith.constant 4 : i32
        %get3A_148 = arith.index_cast %get3A_147 : i32 to index
        %get3A_149 = arith.index_cast %mul3A_128 : i32 to index
        %get3A_150 = tpu.vector_load %arg7[%get3A_148, %get3A_149] {strides = array<i32>} : memref<16x128xf32, #tpu.memory_space<vmem>>, vector<16xf32>,
        %add3A_151 = arith.addf %add3A_146, %get3A_150 : vector<16xf32>
        %get3A_152 = arith.constant 5 : i32
        %get3A_153 = arith.index_cast %get3A_152 : i32 to index
        %get3A_154 = arith.index_cast %mul3A_128 : i32 to index
        %get3A_155 = tpu.vector_load %arg7[%get3A_153, %get3A_154] {strides = array<i32>} : memref<16x128xf32, #tpu.memory_space<vmem>>, vector<16xf32>,
        %add3A_156 = arith.addf %add3A_151, %get3A_155 : vector<16xf32>
        %get3A_157 = arith.constant 6 : i32
        %get3A_158 = arith.index_cast %get3A_157 : i32 to index
        %get3A_159 = arith.index_cast %mul3A_128 : i32 to index
        %get3A_160 = tpu.vector_load %arg7[%get3A_158, %get3A_159] {strides = array<i32>} : memref<16x128xf32, #tpu.memory_space<vmem>>, vector<16xf32>,
        %add3A_161 = arith.addf %add3A_156, %get3A_160 : vector<16xf32>
        %get3A_162 = arith.constant 7 : i32
        %get3A_163 = arith.index_cast %get3A_162 : i32 to index
        %get3A_164 = arith.index_cast %mul3A_128 : i32 to index
        %get3A_165 = tpu.vector_load %arg7[%get3A_163, %get3A_164] {strides = array<i32>} : memref<16x128xf32, #tpu.memory_space<vmem>>, vector<16xf32>,
        %add3A_166 = arith.addf %add3A_161, %get3A_165 : vector<16xf32>
        %get3A_167 = arith.constant 8 : i32
        %get3A_168 = arith.index_cast %get3A_167 : i32 to index
        %get3A_169 = arith.index_cast %mul3A_128 : i32 to index
        %get3A_170 = tpu.vector_load %arg7[%get3A_168, %get3A_169] {strides = array<i32>} : memref<16x128xf32, #tpu.memory_space<vmem>>, vector<16xf32>,
        %add3A_171 = arith.addf %add3A_166, %get3A_170 : vector<16xf32>
        %get3A_172 = arith.constant 9 : i32
        %get3A_173 = arith.index_cast %get3A_172 : i32 to index
        %get3A_174 = arith.index_cast %mul3A_128 : i32 to index
        %get3A_175 = tpu.vector_load %arg7[%get3A_173, %get3A_174] {strides = array<i32>} : memref<16x128xf32, #tpu.memory_space<vmem>>, vector<16xf32>,
        %add3A_176 = arith.addf %add3A_171, %get3A_175 : vector<16xf32>
        %get3A_177 = arith.constant 10 : i32
        %get3A_178 = arith.index_cast %get3A_177 : i32 to index
        %get3A_179 = arith.index_cast %mul3A_128 : i32 to index
        %get3A_180 = tpu.vector_load %arg7[%get3A_178, %get3A_179] {strides = array<i32>} : memref<16x128xf32, #tpu.memory_space<vmem>>, vector<16xf32>,
        %add3A_181 = arith.addf %add3A_176, %get3A_180 : vector<16xf32>
        %get3A_182 = arith.constant 11 : i32
        %get3A_183 = arith.index_cast %get3A_182 : i32 to index
        %get3A_184 = arith.index_cast %mul3A_128 : i32 to index
        %get3A_185 = tpu.vector_load %arg7[%get3A_183, %get3A_184] {strides = array<i32>} : memref<16x128xf32, #tpu.memory_space<vmem>>, vector<16xf32>,
        %add3A_186 = arith.addf %add3A_181, %get3A_185 : vector<16xf32>
        %get3A_187 = arith.constant 12 : i32
        %get3A_188 = arith.index_cast %get3A_187 : i32 to index
        %get3A_189 = arith.index_cast %mul3A_128 : i32 to index
        %get3A_190 = tpu.vector_load %arg7[%get3A_188, %get3A_189] {strides = array<i32>} : memref<16x128xf32, #tpu.memory_space<vmem>>, vector<16xf32>,
        %add3A_191 = arith.addf %add3A_186, %get3A_190 : vector<16xf32>
        %get3A_192 = arith.constant 13 : i32
        %get3A_193 = arith.index_cast %get3A_192 : i32 to index
        %get3A_194 = arith.index_cast %mul3A_128 : i32 to index
        %get3A_195 = tpu.vector_load %arg7[%get3A_193, %get3A_194] {strides = array<i32>} : memref<16x128xf32, #tpu.memory_space<vmem>>, vector<16xf32>,
        %add3A_196 = arith.addf %add3A_191, %get3A_195 : vector<16xf32>
        %get3A_197 = arith.constant 14 : i32
        %get3A_198 = arith.index_cast %get3A_197 : i32 to index
        %get3A_199 = arith.index_cast %mul3A_128 : i32 to index
        %get3A_200 = tpu.vector_load %arg7[%get3A_198, %get3A_199] {strides = array<i32>} : memref<16x128xf32, #tpu.memory_space<vmem>>, vector<16xf32>,
        %add3A_201 = arith.addf %add3A_196, %get3A_200 : vector<16xf32>
        %get3A_202 = arith.constant 15 : i32
        %get3A_203 = arith.index_cast %get3A_202 : i32 to index
        %get3A_204 = arith.index_cast %mul3A_128 : i32 to index
        %get3A_205 = tpu.vector_load %arg7[%get3A_203, %get3A_204] {strides = array<i32>} : memref<16x128xf32, #tpu.memory_space<vmem>>, vector<16xf32>,
        %add3A_206 = arith.addf %add3A_201, %get3A_205 : vector<16xf32>
        %swap3A = arith.index_cast %mul3A_128 : i32 to index
        %swap3A_207 = tpu.vector_load %arg8[%swap3A] {strides = array<i32>} : memref<128xf32, #tpu.memory_space<vmem>>, vector<16xf32>,
        tpu.vector_store %arg8[%swap3A], %add3A_206 {strides = array<i32>} : memref<128xf32, #tpu.memory_space<vmem>>, vector<16xf32>,
        %scan3A_208 = arith.constant 0 : i32
        scf.yield %scan3A_208 : i32
      }
      %scan3A_123 = arith.constant 8 : i32
      %multiple_of3A_124 = tpu.assume_multiple %multiple_of3A_116, 8 : i32
      "tpu.region"() ({
        %run_scoped3A = tpu.sem_alloc : memref<!tpu.dma_semaphore, #tpu.memory_space<semaphore_mem>>
        %dma_start3A_125 = tpu.memref_slice %arg15[%multiple_of3A_124] : memref<1024xf32, #tpu.memory_space<vmem_shared>> -> memref<128xf32, #tpu.memory_space<vmem_shared>>
        %dma_start3A_126 = tpu.memref_slice %arg15[%multiple_of3A_124] : memref<1024xf32, #tpu.memory_space<vmem_shared>> -> memref<128xf32, #tpu.memory_space<vmem_shared>>
        tpu.enqueue_dma source(%arg8 : memref<128xf32, #tpu.memory_space<vmem>>) target(%dma_start3A_126 : memref<128xf32, #tpu.memory_space<vmem_shared>>) target_semaphore(%run_scoped3A : memref<!tpu.dma_semaphore, #tpu.memory_space<semaphore_mem>>)
        %dma_wait3A_127 = tpu.memref_slice %arg15[%multiple_of3A_124] : memref<1024xf32, #tpu.memory_space<vmem_shared>> -> memref<128xf32, #tpu.memory_space<vmem_shared>>
        %dma_wait3A_128 = tpu.memref_slice %arg15[%multiple_of3A_124] : memref<1024xf32, #tpu.memory_space<vmem_shared>> -> memref<128xf32, #tpu.memory_space<vmem_shared>>
        tpu.wait_dma2 semaphore(%run_scoped3A : memref<!tpu.dma_semaphore, #tpu.memory_space<semaphore_mem>>) src(%arg8 : memref<128xf32, #tpu.memory_space<vmem>>) dst(%dma_wait3A_128 : memref<128xf32, #tpu.memory_space<vmem_shared>>)
        tpu.yield
      }) : () -> ()
    } else {
    }
    %barrier3A_103 = arith.constant 0 : index
    tpu.barrier barrier_id(%barrier3A_103)
    %eq3A = arith.constant 0 : i32
    %eq3A_104 = arith.cmpi eq, %arg1, %eq3A : i32
    %convert_element_type3A_105 = arith.extui %eq3A_104 : i1 to i32
    %cond3A_106 = arith.constant 0 : i32
    %cond3A_107 = arith.cmpi ne, %convert_element_type3A_105, %cond3A_106 : i32
    scf.if %cond3A_107 {
      "tpu.region"() ({
        %run_scoped3A = tpu.sem_alloc : memref<!tpu.dma_semaphore, #tpu.memory_space<semaphore_mem>>
        tpu.enqueue_dma source(%arg15 : memref<1024xf32, #tpu.memory_space<vmem_shared>>) target(%arg9 : memref<1024xf32, #tpu.memory_space<vmem>>) target_semaphore(%run_scoped3A : memref<!tpu.dma_semaphore, #tpu.memory_space<semaphore_mem>>)
        tpu.wait_dma2 semaphore(%run_scoped3A : memref<!tpu.dma_semaphore, #tpu.memory_space<semaphore_mem>>) src(%arg15 : memref<1024xf32, #tpu.memory_space<vmem_shared>>) dst(%arg9 : memref<1024xf32, #tpu.memory_space<vmem>>)
        tpu.yield
      }) : () -> ()
      %broadcast_in_dim3A = arith.constant 0 : i32
      %broadcast_in_dim3A_114 = vector.broadcast %broadcast_in_dim3A : i32 to vector<16xi32>
      %scan3A_115 = arith.constant 0 : i32
      %scan3A_116 = arith.constant 64 : i32
      %scan3A_117 = arith.addi %scan3A_115, %scan3A_116 : i32
      %scan3A_118 = arith.constant 1 : i32
      %scan3A_119 = scf.for %scan3A_163 = %scan3A_115 to %scan3A_117 step %scan3A_118 iter_args(%scan3A_164 = %broadcast_in_dim3A_114) -> (vector<16xi32>)  : i32 {
        %mul3A_165 = arith.constant 16 : i32
        %mul3A_166 = arith.muli %scan3A_163, %mul3A_165 : i32
        %get3A = arith.index_cast %mul3A_166 : i32 to index
        %get3A_167 = tpu.vector_load %arg9[%get3A] {strides = array<i32>} : memref<1024xf32, #tpu.memory_space<vmem>>, vector<16xf32>,
        %bitcast_convert_type3A = tpu.bitcast %get3A_167 : vector<16xf32> -> vector<16xi32>
        %ge3A_168 = arith.constant 0 : i32
        %ge3A_169 = vector.broadcast %ge3A_168 : i32 to vector<16xi32>
        %ge3A_170 = arith.cmpi sge, %bitcast_convert_type3A, %ge3A_169 : vector<16xi32>
        %xor3A = arith.constant 2147483647 : i32
        %xor3A_171 = vector.broadcast %xor3A : i32 to vector<16xi32>
        %xor3A_172 = arith.xori %bitcast_convert_type3A, %xor3A_171 : vector<16xi32>
        %select_n3A_173 = arith.select %ge3A_170, %bitcast_convert_type3A, %xor3A_172 : vector<16xi1>, vector<16xi32>
        %swap3A = arith.index_cast %mul3A_166 : i32 to index
        %swap3A_174 = tpu.vector_load %arg10[%swap3A] {strides = array<i32>} : memref<1024xi32, #tpu.memory_space<vmem>>, vector<16xi32>,
        tpu.vector_store %arg10[%swap3A], %select_n3A_173 {strides = array<i32>} : memref<1024xi32, #tpu.memory_space<vmem>>, vector<16xi32>,
        %ge3A_175 = arith.constant 0 : i32
        %ge3A_176 = vector.broadcast %ge3A_175 : i32 to vector<16xi32>
        %ge3A_177 = arith.cmpi sge, %select_n3A_173, %ge3A_176 : vector<16xi32>
        %jit3A_178 = arith.constant 1 : i32
        %jit3A_179 = arith.constant 0 : i32
        %broadcast_in_dim3A_180 = vector.broadcast %jit3A_178 : i32 to vector<16xi32>
        %broadcast_in_dim3A_181 = vector.broadcast %jit3A_179 : i32 to vector<16xi32>
        %select_n3A_182 = arith.select %ge3A_177, %broadcast_in_dim3A_180, %broadcast_in_dim3A_181 : vector<16xi1>, vector<16xi32>
        %add3A_183 = arith.addi %scan3A_164, %select_n3A_182 : vector<16xi32>
        scf.yield %add3A_183 : vector<16xi32>
      }
      %scan3A_120 = arith.constant 64 : i32
      %reduce_sum3A = arith.constant true
      %reduce_sum3A_121 = vector.broadcast %reduce_sum3A : i1 to vector<16xi1>
      %reduce_sum3A_122 = tpu.scan <sum>, %scan3A_119 masked %reduce_sum3A_121 : vector<16xi32>, vector<16xi1> -> vector<16xi32>
      %reduce_sum3A_123 = vector.extract %reduce_sum3A_122[15] : i32 from vector<16xi32>
      %ge3A = arith.constant 102 : i32
      %ge3A_124 = arith.cmpi sge, %reduce_sum3A_123, %ge3A : i32
      %jit3A = arith.constant 0 : i32
      %jit3A_125 = arith.constant -2147483648 : i32
      %select_n3A = arith.select %ge3A_124, %jit3A, %jit3A_125 : i32
      %jit3A_126 = arith.constant 2147483647 : i32
      %jit3A_127 = arith.constant -1 : i32
      %select_n3A_128 = arith.select %ge3A_124, %jit3A_126, %jit3A_127 : i32
      %scan3A_129 = arith.constant 0 : i32
      %scan3A_130 = arith.constant 31 : i32
      %scan3A_131 = arith.addi %scan3A_129, %scan3A_130 : i32
      %scan3A_132 = arith.constant 1 : i32
      %scan3A_133:2 = scf.for %scan3A_163 = %scan3A_129 to %scan3A_131 step %scan3A_132 iter_args(%scan3A_164 = %select_n3A, %scan3A_165 = %select_n3A_128) -> (i32, i32)  : i32 {
        %add3A_166 = arith.constant 1 : i32
        %add3A_167 = arith.addi %scan3A_164, %add3A_166 : i32
        %sub3A_168 = arith.subi %scan3A_165, %scan3A_164 : i32
        %sub3A_169 = arith.constant 1 : i32
        %sub3A_170 = arith.subi %sub3A_168, %sub3A_169 : i32
        %shift_right_arithmetic3A = arith.constant 1 : i32
        %shift_right_arithmetic3A_171 = arith.shrsi %sub3A_170, %shift_right_arithmetic3A : i32
        %add3A_172 = arith.addi %add3A_167, %shift_right_arithmetic3A_171 : i32
        %broadcast_in_dim3A_173 = arith.constant 0 : i32
        %broadcast_in_dim3A_174 = vector.broadcast %broadcast_in_dim3A_173 : i32 to vector<16xi32>
        %get3A = arith.constant 0 : index
        %get3A_175 = tpu.vector_load %arg10[%get3A] {strides = array<i32>} : memref<1024xi32, #tpu.memory_space<vmem>>, vector<16xi32>,
        %ge3A_176 = vector.broadcast %add3A_172 : i32 to vector<16xi32>
        %ge3A_177 = arith.cmpi sge, %get3A_175, %ge3A_176 : vector<16xi32>
        %jit3A_178 = arith.constant 1 : i32
        %jit3A_179 = arith.constant 0 : i32
        %broadcast_in_dim3A_180 = vector.broadcast %jit3A_178 : i32 to vector<16xi32>
        %broadcast_in_dim3A_181 = vector.broadcast %jit3A_179 : i32 to vector<16xi32>
        %select_n3A_182 = arith.select %ge3A_177, %broadcast_in_dim3A_180, %broadcast_in_dim3A_181 : vector<16xi1>, vector<16xi32>
        %add3A_183 = arith.addi %broadcast_in_dim3A_174, %select_n3A_182 : vector<16xi32>
        %get3A_184 = arith.constant 16 : index
        %get3A_185 = tpu.vector_load %arg10[%get3A_184] {strides = array<i32>} : memref<1024xi32, #tpu.memory_space<vmem>>, vector<16xi32>,
        %ge3A_186 = vector.broadcast %add3A_172 : i32 to vector<16xi32>
        %ge3A_187 = arith.cmpi sge, %get3A_185, %ge3A_186 : vector<16xi32>
        %jit3A_188 = arith.constant 1 : i32
        %jit3A_189 = arith.constant 0 : i32
        %broadcast_in_dim3A_190 = vector.broadcast %jit3A_188 : i32 to vector<16xi32>
        %broadcast_in_dim3A_191 = vector.broadcast %jit3A_189 : i32 to vector<16xi32>
        %select_n3A_192 = arith.select %ge3A_187, %broadcast_in_dim3A_190, %broadcast_in_dim3A_191 : vector<16xi1>, vector<16xi32>
        %add3A_193 = arith.addi %add3A_183, %select_n3A_192 : vector<16xi32>
        %get3A_194 = arith.constant 32 : index
        %get3A_195 = tpu.vector_load %arg10[%get3A_194] {strides = array<i32>} : memref<1024xi32, #tpu.memory_space<vmem>>, vector<16xi32>,
        %ge3A_196 = vector.broadcast %add3A_172 : i32 to vector<16xi32>
        %ge3A_197 = arith.cmpi sge, %get3A_195, %ge3A_196 : vector<16xi32>
        %jit3A_198 = arith.constant 1 : i32
        %jit3A_199 = arith.constant 0 : i32
        %broadcast_in_dim3A_200 = vector.broadcast %jit3A_198 : i32 to vector<16xi32>
        %broadcast_in_dim3A_201 = vector.broadcast %jit3A_199 : i32 to vector<16xi32>
        %select_n3A_202 = arith.select %ge3A_197, %broadcast_in_dim3A_200, %broadcast_in_dim3A_201 : vector<16xi1>, vector<16xi32>
        %add3A_203 = arith.addi %add3A_193, %select_n3A_202 : vector<16xi32>
        %get3A_204 = arith.constant 48 : index
        %get3A_205 = tpu.vector_load %arg10[%get3A_204] {strides = array<i32>} : memref<1024xi32, #tpu.memory_space<vmem>>, vector<16xi32>,
        %ge3A_206 = vector.broadcast %add3A_172 : i32 to vector<16xi32>
        %ge3A_207 = arith.cmpi sge, %get3A_205, %ge3A_206 : vector<16xi32>
        %jit3A_208 = arith.constant 1 : i32
        %jit3A_209 = arith.constant 0 : i32
        %broadcast_in_dim3A_210 = vector.broadcast %jit3A_208 : i32 to vector<16xi32>
        %broadcast_in_dim3A_211 = vector.broadcast %jit3A_209 : i32 to vector<16xi32>
        %select_n3A_212 = arith.select %ge3A_207, %broadcast_in_dim3A_210, %broadcast_in_dim3A_211 : vector<16xi1>, vector<16xi32>
        %add3A_213 = arith.addi %add3A_203, %select_n3A_212 : vector<16xi32>
        %get3A_214 = arith.constant 64 : index
        %get3A_215 = tpu.vector_load %arg10[%get3A_214] {strides = array<i32>} : memref<1024xi32, #tpu.memory_space<vmem>>, vector<16xi32>,
        %ge3A_216 = vector.broadcast %add3A_172 : i32 to vector<16xi32>
        %ge3A_217 = arith.cmpi sge, %get3A_215, %ge3A_216 : vector<16xi32>
        %jit3A_218 = arith.constant 1 : i32
        %jit3A_219 = arith.constant 0 : i32
        %broadcast_in_dim3A_220 = vector.broadcast %jit3A_218 : i32 to vector<16xi32>
        %broadcast_in_dim3A_221 = vector.broadcast %jit3A_219 : i32 to vector<16xi32>
        %select_n3A_222 = arith.select %ge3A_217, %broadcast_in_dim3A_220, %broadcast_in_dim3A_221 : vector<16xi1>, vector<16xi32>
        %add3A_223 = arith.addi %add3A_213, %select_n3A_222 : vector<16xi32>
        %get3A_224 = arith.constant 80 : index
        %get3A_225 = tpu.vector_load %arg10[%get3A_224] {strides = array<i32>} : memref<1024xi32, #tpu.memory_space<vmem>>, vector<16xi32>,
        %ge3A_226 = vector.broadcast %add3A_172 : i32 to vector<16xi32>
        %ge3A_227 = arith.cmpi sge, %get3A_225, %ge3A_226 : vector<16xi32>
        %jit3A_228 = arith.constant 1 : i32
        %jit3A_229 = arith.constant 0 : i32
        %broadcast_in_dim3A_230 = vector.broadcast %jit3A_228 : i32 to vector<16xi32>
        %broadcast_in_dim3A_231 = vector.broadcast %jit3A_229 : i32 to vector<16xi32>
        %select_n3A_232 = arith.select %ge3A_227, %broadcast_in_dim3A_230, %broadcast_in_dim3A_231 : vector<16xi1>, vector<16xi32>
        %add3A_233 = arith.addi %add3A_223, %select_n3A_232 : vector<16xi32>
        %get3A_234 = arith.constant 96 : index
        %get3A_235 = tpu.vector_load %arg10[%get3A_234] {strides = array<i32>} : memref<1024xi32, #tpu.memory_space<vmem>>, vector<16xi32>,
        %ge3A_236 = vector.broadcast %add3A_172 : i32 to vector<16xi32>
        %ge3A_237 = arith.cmpi sge, %get3A_235, %ge3A_236 : vector<16xi32>
        %jit3A_238 = arith.constant 1 : i32
        %jit3A_239 = arith.constant 0 : i32
        %broadcast_in_dim3A_240 = vector.broadcast %jit3A_238 : i32 to vector<16xi32>
        %broadcast_in_dim3A_241 = vector.broadcast %jit3A_239 : i32 to vector<16xi32>
        %select_n3A_242 = arith.select %ge3A_237, %broadcast_in_dim3A_240, %broadcast_in_dim3A_241 : vector<16xi1>, vector<16xi32>
        %add3A_243 = arith.addi %add3A_233, %select_n3A_242 : vector<16xi32>
        %get3A_244 = arith.constant 112 : index
        %get3A_245 = tpu.vector_load %arg10[%get3A_244] {strides = array<i32>} : memref<1024xi32, #tpu.memory_space<vmem>>, vector<16xi32>,
        %ge3A_246 = vector.broadcast %add3A_172 : i32 to vector<16xi32>
        %ge3A_247 = arith.cmpi sge, %get3A_245, %ge3A_246 : vector<16xi32>
        %jit3A_248 = arith.constant 1 : i32
        %jit3A_249 = arith.constant 0 : i32
        %broadcast_in_dim3A_250 = vector.broadcast %jit3A_248 : i32 to vector<16xi32>
        %broadcast_in_dim3A_251 = vector.broadcast %jit3A_249 : i32 to vector<16xi32>
        %select_n3A_252 = arith.select %ge3A_247, %broadcast_in_dim3A_250, %broadcast_in_dim3A_251 : vector<16xi1>, vector<16xi32>
        %add3A_253 = arith.addi %add3A_243, %select_n3A_252 : vector<16xi32>
        %get3A_254 = arith.constant 128 : index
        %get3A_255 = tpu.vector_load %arg10[%get3A_254] {strides = array<i32>} : memref<1024xi32, #tpu.memory_space<vmem>>, vector<16xi32>,
        %ge3A_256 = vector.broadcast %add3A_172 : i32 to vector<16xi32>
        %ge3A_257 = arith.cmpi sge, %get3A_255, %ge3A_256 : vector<16xi32>
        %jit3A_258 = arith.constant 1 : i32
        %jit3A_259 = arith.constant 0 : i32
        %broadcast_in_dim3A_260 = vector.broadcast %jit3A_258 : i32 to vector<16xi32>
        %broadcast_in_dim3A_261 = vector.broadcast %jit3A_259 : i32 to vector<16xi32>
        %select_n3A_262 = arith.select %ge3A_257, %broadcast_in_dim3A_260, %broadcast_in_dim3A_261 : vector<16xi1>, vector<16xi32>
        %add3A_263 = arith.addi %add3A_253, %select_n3A_262 : vector<16xi32>
        %get3A_264 = arith.constant 144 : index
        %get3A_265 = tpu.vector_load %arg10[%get3A_264] {strides = array<i32>} : memref<1024xi32, #tpu.memory_space<vmem>>, vector<16xi32>,
        %ge3A_266 = vector.broadcast %add3A_172 : i32 to vector<16xi32>
        %ge3A_267 = arith.cmpi sge, %get3A_265, %ge3A_266 : vector<16xi32>
        %jit3A_268 = arith.constant 1 : i32
        %jit3A_269 = arith.constant 0 : i32
        %broadcast_in_dim3A_270 = vector.broadcast %jit3A_268 : i32 to vector<16xi32>
        %broadcast_in_dim3A_271 = vector.broadcast %jit3A_269 : i32 to vector<16xi32>
        %select_n3A_272 = arith.select %ge3A_267, %broadcast_in_dim3A_270, %broadcast_in_dim3A_271 : vector<16xi1>, vector<16xi32>
        %add3A_273 = arith.addi %add3A_263, %select_n3A_272 : vector<16xi32>
        %get3A_274 = arith.constant 160 : index
        %get3A_275 = tpu.vector_load %arg10[%get3A_274] {strides = array<i32>} : memref<1024xi32, #tpu.memory_space<vmem>>, vector<16xi32>,
        %ge3A_276 = vector.broadcast %add3A_172 : i32 to vector<16xi32>
        %ge3A_277 = arith.cmpi sge, %get3A_275, %ge3A_276 : vector<16xi32>
        %jit3A_278 = arith.constant 1 : i32
        %jit3A_279 = arith.constant 0 : i32
        %broadcast_in_dim3A_280 = vector.broadcast %jit3A_278 : i32 to vector<16xi32>
        %broadcast_in_dim3A_281 = vector.broadcast %jit3A_279 : i32 to vector<16xi32>
        %select_n3A_282 = arith.select %ge3A_277, %broadcast_in_dim3A_280, %broadcast_in_dim3A_281 : vector<16xi1>, vector<16xi32>
        %add3A_283 = arith.addi %add3A_273, %select_n3A_282 : vector<16xi32>
        %get3A_284 = arith.constant 176 : index
        %get3A_285 = tpu.vector_load %arg10[%get3A_284] {strides = array<i32>} : memref<1024xi32, #tpu.memory_space<vmem>>, vector<16xi32>,
        %ge3A_286 = vector.broadcast %add3A_172 : i32 to vector<16xi32>
        %ge3A_287 = arith.cmpi sge, %get3A_285, %ge3A_286 : vector<16xi32>
        %jit3A_288 = arith.constant 1 : i32
        %jit3A_289 = arith.constant 0 : i32
        %broadcast_in_dim3A_290 = vector.broadcast %jit3A_288 : i32 to vector<16xi32>
        %broadcast_in_dim3A_291 = vector.broadcast %jit3A_289 : i32 to vector<16xi32>
        %select_n3A_292 = arith.select %ge3A_287, %broadcast_in_dim3A_290, %broadcast_in_dim3A_291 : vector<16xi1>, vector<16xi32>
        %add3A_293 = arith.addi %add3A_283, %select_n3A_292 : vector<16xi32>
        %get3A_294 = arith.constant 192 : index
        %get3A_295 = tpu.vector_load %arg10[%get3A_294] {strides = array<i32>} : memref<1024xi32, #tpu.memory_space<vmem>>, vector<16xi32>,
        %ge3A_296 = vector.broadcast %add3A_172 : i32 to vector<16xi32>
        %ge3A_297 = arith.cmpi sge, %get3A_295, %ge3A_296 : vector<16xi32>
        %jit3A_298 = arith.constant 1 : i32
        %jit3A_299 = arith.constant 0 : i32
        %broadcast_in_dim3A_300 = vector.broadcast %jit3A_298 : i32 to vector<16xi32>
        %broadcast_in_dim3A_301 = vector.broadcast %jit3A_299 : i32 to vector<16xi32>
        %select_n3A_302 = arith.select %ge3A_297, %broadcast_in_dim3A_300, %broadcast_in_dim3A_301 : vector<16xi1>, vector<16xi32>
        %add3A_303 = arith.addi %add3A_293, %select_n3A_302 : vector<16xi32>
        %get3A_304 = arith.constant 208 : index
        %get3A_305 = tpu.vector_load %arg10[%get3A_304] {strides = array<i32>} : memref<1024xi32, #tpu.memory_space<vmem>>, vector<16xi32>,
        %ge3A_306 = vector.broadcast %add3A_172 : i32 to vector<16xi32>
        %ge3A_307 = arith.cmpi sge, %get3A_305, %ge3A_306 : vector<16xi32>
        %jit3A_308 = arith.constant 1 : i32
        %jit3A_309 = arith.constant 0 : i32
        %broadcast_in_dim3A_310 = vector.broadcast %jit3A_308 : i32 to vector<16xi32>
        %broadcast_in_dim3A_311 = vector.broadcast %jit3A_309 : i32 to vector<16xi32>
        %select_n3A_312 = arith.select %ge3A_307, %broadcast_in_dim3A_310, %broadcast_in_dim3A_311 : vector<16xi1>, vector<16xi32>
        %add3A_313 = arith.addi %add3A_303, %select_n3A_312 : vector<16xi32>
        %get3A_314 = arith.constant 224 : index
        %get3A_315 = tpu.vector_load %arg10[%get3A_314] {strides = array<i32>} : memref<1024xi32, #tpu.memory_space<vmem>>, vector<16xi32>,
        %ge3A_316 = vector.broadcast %add3A_172 : i32 to vector<16xi32>
        %ge3A_317 = arith.cmpi sge, %get3A_315, %ge3A_316 : vector<16xi32>
        %jit3A_318 = arith.constant 1 : i32
        %jit3A_319 = arith.constant 0 : i32
        %broadcast_in_dim3A_320 = vector.broadcast %jit3A_318 : i32 to vector<16xi32>
        %broadcast_in_dim3A_321 = vector.broadcast %jit3A_319 : i32 to vector<16xi32>
        %select_n3A_322 = arith.select %ge3A_317, %broadcast_in_dim3A_320, %broadcast_in_dim3A_321 : vector<16xi1>, vector<16xi32>
        %add3A_323 = arith.addi %add3A_313, %select_n3A_322 : vector<16xi32>
        %get3A_324 = arith.constant 240 : index
        %get3A_325 = tpu.vector_load %arg10[%get3A_324] {strides = array<i32>} : memref<1024xi32, #tpu.memory_space<vmem>>, vector<16xi32>,
        %ge3A_326 = vector.broadcast %add3A_172 : i32 to vector<16xi32>
        %ge3A_327 = arith.cmpi sge, %get3A_325, %ge3A_326 : vector<16xi32>
        %jit3A_328 = arith.constant 1 : i32
        %jit3A_329 = arith.constant 0 : i32
        %broadcast_in_dim3A_330 = vector.broadcast %jit3A_328 : i32 to vector<16xi32>
        %broadcast_in_dim3A_331 = vector.broadcast %jit3A_329 : i32 to vector<16xi32>
        %select_n3A_332 = arith.select %ge3A_327, %broadcast_in_dim3A_330, %broadcast_in_dim3A_331 : vector<16xi1>, vector<16xi32>
        %add3A_333 = arith.addi %add3A_323, %select_n3A_332 : vector<16xi32>
        %get3A_334 = arith.constant 256 : index
        %get3A_335 = tpu.vector_load %arg10[%get3A_334] {strides = array<i32>} : memref<1024xi32, #tpu.memory_space<vmem>>, vector<16xi32>,
        %ge3A_336 = vector.broadcast %add3A_172 : i32 to vector<16xi32>
        %ge3A_337 = arith.cmpi sge, %get3A_335, %ge3A_336 : vector<16xi32>
        %jit3A_338 = arith.constant 1 : i32
        %jit3A_339 = arith.constant 0 : i32
        %broadcast_in_dim3A_340 = vector.broadcast %jit3A_338 : i32 to vector<16xi32>
        %broadcast_in_dim3A_341 = vector.broadcast %jit3A_339 : i32 to vector<16xi32>
        %select_n3A_342 = arith.select %ge3A_337, %broadcast_in_dim3A_340, %broadcast_in_dim3A_341 : vector<16xi1>, vector<16xi32>
        %add3A_343 = arith.addi %add3A_333, %select_n3A_342 : vector<16xi32>
        %get3A_344 = arith.constant 272 : index
        %get3A_345 = tpu.vector_load %arg10[%get3A_344] {strides = array<i32>} : memref<1024xi32, #tpu.memory_space<vmem>>, vector<16xi32>,
        %ge3A_346 = vector.broadcast %add3A_172 : i32 to vector<16xi32>
        %ge3A_347 = arith.cmpi sge, %get3A_345, %ge3A_346 : vector<16xi32>
        %jit3A_348 = arith.constant 1 : i32
        %jit3A_349 = arith.constant 0 : i32
        %broadcast_in_dim3A_350 = vector.broadcast %jit3A_348 : i32 to vector<16xi32>
        %broadcast_in_dim3A_351 = vector.broadcast %jit3A_349 : i32 to vector<16xi32>
        %select_n3A_352 = arith.select %ge3A_347, %broadcast_in_dim3A_350, %broadcast_in_dim3A_351 : vector<16xi1>, vector<16xi32>
        %add3A_353 = arith.addi %add3A_343, %select_n3A_352 : vector<16xi32>
        %get3A_354 = arith.constant 288 : index
        %get3A_355 = tpu.vector_load %arg10[%get3A_354] {strides = array<i32>} : memref<1024xi32, #tpu.memory_space<vmem>>, vector<16xi32>,
        %ge3A_356 = vector.broadcast %add3A_172 : i32 to vector<16xi32>
        %ge3A_357 = arith.cmpi sge, %get3A_355, %ge3A_356 : vector<16xi32>
        %jit3A_358 = arith.constant 1 : i32
        %jit3A_359 = arith.constant 0 : i32
        %broadcast_in_dim3A_360 = vector.broadcast %jit3A_358 : i32 to vector<16xi32>
        %broadcast_in_dim3A_361 = vector.broadcast %jit3A_359 : i32 to vector<16xi32>
        %select_n3A_362 = arith.select %ge3A_357, %broadcast_in_dim3A_360, %broadcast_in_dim3A_361 : vector<16xi1>, vector<16xi32>
        %add3A_363 = arith.addi %add3A_353, %select_n3A_362 : vector<16xi32>
        %get3A_364 = arith.constant 304 : index
        %get3A_365 = tpu.vector_load %arg10[%get3A_364] {strides = array<i32>} : memref<1024xi32, #tpu.memory_space<vmem>>, vector<16xi32>,
        %ge3A_366 = vector.broadcast %add3A_172 : i32 to vector<16xi32>
        %ge3A_367 = arith.cmpi sge, %get3A_365, %ge3A_366 : vector<16xi32>
        %jit3A_368 = arith.constant 1 : i32
        %jit3A_369 = arith.constant 0 : i32
        %broadcast_in_dim3A_370 = vector.broadcast %jit3A_368 : i32 to vector<16xi32>
        %broadcast_in_dim3A_371 = vector.broadcast %jit3A_369 : i32 to vector<16xi32>
        %select_n3A_372 = arith.select %ge3A_367, %broadcast_in_dim3A_370, %broadcast_in_dim3A_371 : vector<16xi1>, vector<16xi32>
        %add3A_373 = arith.addi %add3A_363, %select_n3A_372 : vector<16xi32>
        %get3A_374 = arith.constant 320 : index
        %get3A_375 = tpu.vector_load %arg10[%get3A_374] {strides = array<i32>} : memref<1024xi32, #tpu.memory_space<vmem>>, vector<16xi32>,
        %ge3A_376 = vector.broadcast %add3A_172 : i32 to vector<16xi32>
        %ge3A_377 = arith.cmpi sge, %get3A_375, %ge3A_376 : vector<16xi32>
        %jit3A_378 = arith.constant 1 : i32
        %jit3A_379 = arith.constant 0 : i32
        %broadcast_in_dim3A_380 = vector.broadcast %jit3A_378 : i32 to vector<16xi32>
        %broadcast_in_dim3A_381 = vector.broadcast %jit3A_379 : i32 to vector<16xi32>
        %select_n3A_382 = arith.select %ge3A_377, %broadcast_in_dim3A_380, %broadcast_in_dim3A_381 : vector<16xi1>, vector<16xi32>
        %add3A_383 = arith.addi %add3A_373, %select_n3A_382 : vector<16xi32>
        %get3A_384 = arith.constant 336 : index
        %get3A_385 = tpu.vector_load %arg10[%get3A_384] {strides = array<i32>} : memref<1024xi32, #tpu.memory_space<vmem>>, vector<16xi32>,
        %ge3A_386 = vector.broadcast %add3A_172 : i32 to vector<16xi32>
        %ge3A_387 = arith.cmpi sge, %get3A_385, %ge3A_386 : vector<16xi32>
        %jit3A_388 = arith.constant 1 : i32
        %jit3A_389 = arith.constant 0 : i32
        %broadcast_in_dim3A_390 = vector.broadcast %jit3A_388 : i32 to vector<16xi32>
        %broadcast_in_dim3A_391 = vector.broadcast %jit3A_389 : i32 to vector<16xi32>
        %select_n3A_392 = arith.select %ge3A_387, %broadcast_in_dim3A_390, %broadcast_in_dim3A_391 : vector<16xi1>, vector<16xi32>
        %add3A_393 = arith.addi %add3A_383, %select_n3A_392 : vector<16xi32>
        %get3A_394 = arith.constant 352 : index
        %get3A_395 = tpu.vector_load %arg10[%get3A_394] {strides = array<i32>} : memref<1024xi32, #tpu.memory_space<vmem>>, vector<16xi32>,
        %ge3A_396 = vector.broadcast %add3A_172 : i32 to vector<16xi32>
        %ge3A_397 = arith.cmpi sge, %get3A_395, %ge3A_396 : vector<16xi32>
        %jit3A_398 = arith.constant 1 : i32
        %jit3A_399 = arith.constant 0 : i32
        %broadcast_in_dim3A_400 = vector.broadcast %jit3A_398 : i32 to vector<16xi32>
        %broadcast_in_dim3A_401 = vector.broadcast %jit3A_399 : i32 to vector<16xi32>
        %select_n3A_402 = arith.select %ge3A_397, %broadcast_in_dim3A_400, %broadcast_in_dim3A_401 : vector<16xi1>, vector<16xi32>
        %add3A_403 = arith.addi %add3A_393, %select_n3A_402 : vector<16xi32>
        %get3A_404 = arith.constant 368 : index
        %get3A_405 = tpu.vector_load %arg10[%get3A_404] {strides = array<i32>} : memref<1024xi32, #tpu.memory_space<vmem>>, vector<16xi32>,
        %ge3A_406 = vector.broadcast %add3A_172 : i32 to vector<16xi32>
        %ge3A_407 = arith.cmpi sge, %get3A_405, %ge3A_406 : vector<16xi32>
        %jit3A_408 = arith.constant 1 : i32
        %jit3A_409 = arith.constant 0 : i32
        %broadcast_in_dim3A_410 = vector.broadcast %jit3A_408 : i32 to vector<16xi32>
        %broadcast_in_dim3A_411 = vector.broadcast %jit3A_409 : i32 to vector<16xi32>
        %select_n3A_412 = arith.select %ge3A_407, %broadcast_in_dim3A_410, %broadcast_in_dim3A_411 : vector<16xi1>, vector<16xi32>
        %add3A_413 = arith.addi %add3A_403, %select_n3A_412 : vector<16xi32>
        %get3A_414 = arith.constant 384 : index
        %get3A_415 = tpu.vector_load %arg10[%get3A_414] {strides = array<i32>} : memref<1024xi32, #tpu.memory_space<vmem>>, vector<16xi32>,
        %ge3A_416 = vector.broadcast %add3A_172 : i32 to vector<16xi32>
        %ge3A_417 = arith.cmpi sge, %get3A_415, %ge3A_416 : vector<16xi32>
        %jit3A_418 = arith.constant 1 : i32
        %jit3A_419 = arith.constant 0 : i32
        %broadcast_in_dim3A_420 = vector.broadcast %jit3A_418 : i32 to vector<16xi32>
        %broadcast_in_dim3A_421 = vector.broadcast %jit3A_419 : i32 to vector<16xi32>
        %select_n3A_422 = arith.select %ge3A_417, %broadcast_in_dim3A_420, %broadcast_in_dim3A_421 : vector<16xi1>, vector<16xi32>
        %add3A_423 = arith.addi %add3A_413, %select_n3A_422 : vector<16xi32>
        %get3A_424 = arith.constant 400 : index
        %get3A_425 = tpu.vector_load %arg10[%get3A_424] {strides = array<i32>} : memref<1024xi32, #tpu.memory_space<vmem>>, vector<16xi32>,
        %ge3A_426 = vector.broadcast %add3A_172 : i32 to vector<16xi32>
        %ge3A_427 = arith.cmpi sge, %get3A_425, %ge3A_426 : vector<16xi32>
        %jit3A_428 = arith.constant 1 : i32
        %jit3A_429 = arith.constant 0 : i32
        %broadcast_in_dim3A_430 = vector.broadcast %jit3A_428 : i32 to vector<16xi32>
        %broadcast_in_dim3A_431 = vector.broadcast %jit3A_429 : i32 to vector<16xi32>
        %select_n3A_432 = arith.select %ge3A_427, %broadcast_in_dim3A_430, %broadcast_in_dim3A_431 : vector<16xi1>, vector<16xi32>
        %add3A_433 = arith.addi %add3A_423, %select_n3A_432 : vector<16xi32>
        %get3A_434 = arith.constant 416 : index
        %get3A_435 = tpu.vector_load %arg10[%get3A_434] {strides = array<i32>} : memref<1024xi32, #tpu.memory_space<vmem>>, vector<16xi32>,
        %ge3A_436 = vector.broadcast %add3A_172 : i32 to vector<16xi32>
        %ge3A_437 = arith.cmpi sge, %get3A_435, %ge3A_436 : vector<16xi32>
        %jit3A_438 = arith.constant 1 : i32
        %jit3A_439 = arith.constant 0 : i32
        %broadcast_in_dim3A_440 = vector.broadcast %jit3A_438 : i32 to vector<16xi32>
        %broadcast_in_dim3A_441 = vector.broadcast %jit3A_439 : i32 to vector<16xi32>
        %select_n3A_442 = arith.select %ge3A_437, %broadcast_in_dim3A_440, %broadcast_in_dim3A_441 : vector<16xi1>, vector<16xi32>
        %add3A_443 = arith.addi %add3A_433, %select_n3A_442 : vector<16xi32>
        %get3A_444 = arith.constant 432 : index
        %get3A_445 = tpu.vector_load %arg10[%get3A_444] {strides = array<i32>} : memref<1024xi32, #tpu.memory_space<vmem>>, vector<16xi32>,
        %ge3A_446 = vector.broadcast %add3A_172 : i32 to vector<16xi32>
        %ge3A_447 = arith.cmpi sge, %get3A_445, %ge3A_446 : vector<16xi32>
        %jit3A_448 = arith.constant 1 : i32
        %jit3A_449 = arith.constant 0 : i32
        %broadcast_in_dim3A_450 = vector.broadcast %jit3A_448 : i32 to vector<16xi32>
        %broadcast_in_dim3A_451 = vector.broadcast %jit3A_449 : i32 to vector<16xi32>
        %select_n3A_452 = arith.select %ge3A_447, %broadcast_in_dim3A_450, %broadcast_in_dim3A_451 : vector<16xi1>, vector<16xi32>
        %add3A_453 = arith.addi %add3A_443, %select_n3A_452 : vector<16xi32>
        %get3A_454 = arith.constant 448 : index
        %get3A_455 = tpu.vector_load %arg10[%get3A_454] {strides = array<i32>} : memref<1024xi32, #tpu.memory_space<vmem>>, vector<16xi32>,
        %ge3A_456 = vector.broadcast %add3A_172 : i32 to vector<16xi32>
        %ge3A_457 = arith.cmpi sge, %get3A_455, %ge3A_456 : vector<16xi32>
        %jit3A_458 = arith.constant 1 : i32
        %jit3A_459 = arith.constant 0 : i32
        %broadcast_in_dim3A_460 = vector.broadcast %jit3A_458 : i32 to vector<16xi32>
        %broadcast_in_dim3A_461 = vector.broadcast %jit3A_459 : i32 to vector<16xi32>
        %select_n3A_462 = arith.select %ge3A_457, %broadcast_in_dim3A_460, %broadcast_in_dim3A_461 : vector<16xi1>, vector<16xi32>
        %add3A_463 = arith.addi %add3A_453, %select_n3A_462 : vector<16xi32>
        %get3A_464 = arith.constant 464 : index
        %get3A_465 = tpu.vector_load %arg10[%get3A_464] {strides = array<i32>} : memref<1024xi32, #tpu.memory_space<vmem>>, vector<16xi32>,
        %ge3A_466 = vector.broadcast %add3A_172 : i32 to vector<16xi32>
        %ge3A_467 = arith.cmpi sge, %get3A_465, %ge3A_466 : vector<16xi32>
        %jit3A_468 = arith.constant 1 : i32
        %jit3A_469 = arith.constant 0 : i32
        %broadcast_in_dim3A_470 = vector.broadcast %jit3A_468 : i32 to vector<16xi32>
        %broadcast_in_dim3A_471 = vector.broadcast %jit3A_469 : i32 to vector<16xi32>
        %select_n3A_472 = arith.select %ge3A_467, %broadcast_in_dim3A_470, %broadcast_in_dim3A_471 : vector<16xi1>, vector<16xi32>
        %add3A_473 = arith.addi %add3A_463, %select_n3A_472 : vector<16xi32>
        %get3A_474 = arith.constant 480 : index
        %get3A_475 = tpu.vector_load %arg10[%get3A_474] {strides = array<i32>} : memref<1024xi32, #tpu.memory_space<vmem>>, vector<16xi32>,
        %ge3A_476 = vector.broadcast %add3A_172 : i32 to vector<16xi32>
        %ge3A_477 = arith.cmpi sge, %get3A_475, %ge3A_476 : vector<16xi32>
        %jit3A_478 = arith.constant 1 : i32
        %jit3A_479 = arith.constant 0 : i32
        %broadcast_in_dim3A_480 = vector.broadcast %jit3A_478 : i32 to vector<16xi32>
        %broadcast_in_dim3A_481 = vector.broadcast %jit3A_479 : i32 to vector<16xi32>
        %select_n3A_482 = arith.select %ge3A_477, %broadcast_in_dim3A_480, %broadcast_in_dim3A_481 : vector<16xi1>, vector<16xi32>
        %add3A_483 = arith.addi %add3A_473, %select_n3A_482 : vector<16xi32>
        %get3A_484 = arith.constant 496 : index
        %get3A_485 = tpu.vector_load %arg10[%get3A_484] {strides = array<i32>} : memref<1024xi32, #tpu.memory_space<vmem>>, vector<16xi32>,
        %ge3A_486 = vector.broadcast %add3A_172 : i32 to vector<16xi32>
        %ge3A_487 = arith.cmpi sge, %get3A_485, %ge3A_486 : vector<16xi32>
        %jit3A_488 = arith.constant 1 : i32
        %jit3A_489 = arith.constant 0 : i32
        %broadcast_in_dim3A_490 = vector.broadcast %jit3A_488 : i32 to vector<16xi32>
        %broadcast_in_dim3A_491 = vector.broadcast %jit3A_489 : i32 to vector<16xi32>
        %select_n3A_492 = arith.select %ge3A_487, %broadcast_in_dim3A_490, %broadcast_in_dim3A_491 : vector<16xi1>, vector<16xi32>
        %add3A_493 = arith.addi %add3A_483, %select_n3A_492 : vector<16xi32>
        %get3A_494 = arith.constant 512 : index
        %get3A_495 = tpu.vector_load %arg10[%get3A_494] {strides = array<i32>} : memref<1024xi32, #tpu.memory_space<vmem>>, vector<16xi32>,
        %ge3A_496 = vector.broadcast %add3A_172 : i32 to vector<16xi32>
        %ge3A_497 = arith.cmpi sge, %get3A_495, %ge3A_496 : vector<16xi32>
        %jit3A_498 = arith.constant 1 : i32
        %jit3A_499 = arith.constant 0 : i32
        %broadcast_in_dim3A_500 = vector.broadcast %jit3A_498 : i32 to vector<16xi32>
        %broadcast_in_dim3A_501 = vector.broadcast %jit3A_499 : i32 to vector<16xi32>
        %select_n3A_502 = arith.select %ge3A_497, %broadcast_in_dim3A_500, %broadcast_in_dim3A_501 : vector<16xi1>, vector<16xi32>
        %add3A_503 = arith.addi %add3A_493, %select_n3A_502 : vector<16xi32>
        %get3A_504 = arith.constant 528 : index
        %get3A_505 = tpu.vector_load %arg10[%get3A_504] {strides = array<i32>} : memref<1024xi32, #tpu.memory_space<vmem>>, vector<16xi32>,
        %ge3A_506 = vector.broadcast %add3A_172 : i32 to vector<16xi32>
        %ge3A_507 = arith.cmpi sge, %get3A_505, %ge3A_506 : vector<16xi32>
        %jit3A_508 = arith.constant 1 : i32
        %jit3A_509 = arith.constant 0 : i32
        %broadcast_in_dim3A_510 = vector.broadcast %jit3A_508 : i32 to vector<16xi32>
        %broadcast_in_dim3A_511 = vector.broadcast %jit3A_509 : i32 to vector<16xi32>
        %select_n3A_512 = arith.select %ge3A_507, %broadcast_in_dim3A_510, %broadcast_in_dim3A_511 : vector<16xi1>, vector<16xi32>
        %add3A_513 = arith.addi %add3A_503, %select_n3A_512 : vector<16xi32>
        %get3A_514 = arith.constant 544 : index
        %get3A_515 = tpu.vector_load %arg10[%get3A_514] {strides = array<i32>} : memref<1024xi32, #tpu.memory_space<vmem>>, vector<16xi32>,
        %ge3A_516 = vector.broadcast %add3A_172 : i32 to vector<16xi32>
        %ge3A_517 = arith.cmpi sge, %get3A_515, %ge3A_516 : vector<16xi32>
        %jit3A_518 = arith.constant 1 : i32
        %jit3A_519 = arith.constant 0 : i32
        %broadcast_in_dim3A_520 = vector.broadcast %jit3A_518 : i32 to vector<16xi32>
        %broadcast_in_dim3A_521 = vector.broadcast %jit3A_519 : i32 to vector<16xi32>
        %select_n3A_522 = arith.select %ge3A_517, %broadcast_in_dim3A_520, %broadcast_in_dim3A_521 : vector<16xi1>, vector<16xi32>
        %add3A_523 = arith.addi %add3A_513, %select_n3A_522 : vector<16xi32>
        %get3A_524 = arith.constant 560 : index
        %get3A_525 = tpu.vector_load %arg10[%get3A_524] {strides = array<i32>} : memref<1024xi32, #tpu.memory_space<vmem>>, vector<16xi32>,
        %ge3A_526 = vector.broadcast %add3A_172 : i32 to vector<16xi32>
        %ge3A_527 = arith.cmpi sge, %get3A_525, %ge3A_526 : vector<16xi32>
        %jit3A_528 = arith.constant 1 : i32
        %jit3A_529 = arith.constant 0 : i32
        %broadcast_in_dim3A_530 = vector.broadcast %jit3A_528 : i32 to vector<16xi32>
        %broadcast_in_dim3A_531 = vector.broadcast %jit3A_529 : i32 to vector<16xi32>
        %select_n3A_532 = arith.select %ge3A_527, %broadcast_in_dim3A_530, %broadcast_in_dim3A_531 : vector<16xi1>, vector<16xi32>
        %add3A_533 = arith.addi %add3A_523, %select_n3A_532 : vector<16xi32>
        %get3A_534 = arith.constant 576 : index
        %get3A_535 = tpu.vector_load %arg10[%get3A_534] {strides = array<i32>} : memref<1024xi32, #tpu.memory_space<vmem>>, vector<16xi32>,
        %ge3A_536 = vector.broadcast %add3A_172 : i32 to vector<16xi32>
        %ge3A_537 = arith.cmpi sge, %get3A_535, %ge3A_536 : vector<16xi32>
        %jit3A_538 = arith.constant 1 : i32
        %jit3A_539 = arith.constant 0 : i32
        %broadcast_in_dim3A_540 = vector.broadcast %jit3A_538 : i32 to vector<16xi32>
        %broadcast_in_dim3A_541 = vector.broadcast %jit3A_539 : i32 to vector<16xi32>
        %select_n3A_542 = arith.select %ge3A_537, %broadcast_in_dim3A_540, %broadcast_in_dim3A_541 : vector<16xi1>, vector<16xi32>
        %add3A_543 = arith.addi %add3A_533, %select_n3A_542 : vector<16xi32>
        %get3A_544 = arith.constant 592 : index
        %get3A_545 = tpu.vector_load %arg10[%get3A_544] {strides = array<i32>} : memref<1024xi32, #tpu.memory_space<vmem>>, vector<16xi32>,
        %ge3A_546 = vector.broadcast %add3A_172 : i32 to vector<16xi32>
        %ge3A_547 = arith.cmpi sge, %get3A_545, %ge3A_546 : vector<16xi32>
        %jit3A_548 = arith.constant 1 : i32
        %jit3A_549 = arith.constant 0 : i32
        %broadcast_in_dim3A_550 = vector.broadcast %jit3A_548 : i32 to vector<16xi32>
        %broadcast_in_dim3A_551 = vector.broadcast %jit3A_549 : i32 to vector<16xi32>
        %select_n3A_552 = arith.select %ge3A_547, %broadcast_in_dim3A_550, %broadcast_in_dim3A_551 : vector<16xi1>, vector<16xi32>
        %add3A_553 = arith.addi %add3A_543, %select_n3A_552 : vector<16xi32>
        %get3A_554 = arith.constant 608 : index
        %get3A_555 = tpu.vector_load %arg10[%get3A_554] {strides = array<i32>} : memref<1024xi32, #tpu.memory_space<vmem>>, vector<16xi32>,
        %ge3A_556 = vector.broadcast %add3A_172 : i32 to vector<16xi32>
        %ge3A_557 = arith.cmpi sge, %get3A_555, %ge3A_556 : vector<16xi32>
        %jit3A_558 = arith.constant 1 : i32
        %jit3A_559 = arith.constant 0 : i32
        %broadcast_in_dim3A_560 = vector.broadcast %jit3A_558 : i32 to vector<16xi32>
        %broadcast_in_dim3A_561 = vector.broadcast %jit3A_559 : i32 to vector<16xi32>
        %select_n3A_562 = arith.select %ge3A_557, %broadcast_in_dim3A_560, %broadcast_in_dim3A_561 : vector<16xi1>, vector<16xi32>
        %add3A_563 = arith.addi %add3A_553, %select_n3A_562 : vector<16xi32>
        %get3A_564 = arith.constant 624 : index
        %get3A_565 = tpu.vector_load %arg10[%get3A_564] {strides = array<i32>} : memref<1024xi32, #tpu.memory_space<vmem>>, vector<16xi32>,
        %ge3A_566 = vector.broadcast %add3A_172 : i32 to vector<16xi32>
        %ge3A_567 = arith.cmpi sge, %get3A_565, %ge3A_566 : vector<16xi32>
        %jit3A_568 = arith.constant 1 : i32
        %jit3A_569 = arith.constant 0 : i32
        %broadcast_in_dim3A_570 = vector.broadcast %jit3A_568 : i32 to vector<16xi32>
        %broadcast_in_dim3A_571 = vector.broadcast %jit3A_569 : i32 to vector<16xi32>
        %select_n3A_572 = arith.select %ge3A_567, %broadcast_in_dim3A_570, %broadcast_in_dim3A_571 : vector<16xi1>, vector<16xi32>
        %add3A_573 = arith.addi %add3A_563, %select_n3A_572 : vector<16xi32>
        %get3A_574 = arith.constant 640 : index
        %get3A_575 = tpu.vector_load %arg10[%get3A_574] {strides = array<i32>} : memref<1024xi32, #tpu.memory_space<vmem>>, vector<16xi32>,
        %ge3A_576 = vector.broadcast %add3A_172 : i32 to vector<16xi32>
        %ge3A_577 = arith.cmpi sge, %get3A_575, %ge3A_576 : vector<16xi32>
        %jit3A_578 = arith.constant 1 : i32
        %jit3A_579 = arith.constant 0 : i32
        %broadcast_in_dim3A_580 = vector.broadcast %jit3A_578 : i32 to vector<16xi32>
        %broadcast_in_dim3A_581 = vector.broadcast %jit3A_579 : i32 to vector<16xi32>
        %select_n3A_582 = arith.select %ge3A_577, %broadcast_in_dim3A_580, %broadcast_in_dim3A_581 : vector<16xi1>, vector<16xi32>
        %add3A_583 = arith.addi %add3A_573, %select_n3A_582 : vector<16xi32>
        %get3A_584 = arith.constant 656 : index
        %get3A_585 = tpu.vector_load %arg10[%get3A_584] {strides = array<i32>} : memref<1024xi32, #tpu.memory_space<vmem>>, vector<16xi32>,
        %ge3A_586 = vector.broadcast %add3A_172 : i32 to vector<16xi32>
        %ge3A_587 = arith.cmpi sge, %get3A_585, %ge3A_586 : vector<16xi32>
        %jit3A_588 = arith.constant 1 : i32
        %jit3A_589 = arith.constant 0 : i32
        %broadcast_in_dim3A_590 = vector.broadcast %jit3A_588 : i32 to vector<16xi32>
        %broadcast_in_dim3A_591 = vector.broadcast %jit3A_589 : i32 to vector<16xi32>
        %select_n3A_592 = arith.select %ge3A_587, %broadcast_in_dim3A_590, %broadcast_in_dim3A_591 : vector<16xi1>, vector<16xi32>
        %add3A_593 = arith.addi %add3A_583, %select_n3A_592 : vector<16xi32>
        %get3A_594 = arith.constant 672 : index
        %get3A_595 = tpu.vector_load %arg10[%get3A_594] {strides = array<i32>} : memref<1024xi32, #tpu.memory_space<vmem>>, vector<16xi32>,
        %ge3A_596 = vector.broadcast %add3A_172 : i32 to vector<16xi32>
        %ge3A_597 = arith.cmpi sge, %get3A_595, %ge3A_596 : vector<16xi32>
        %jit3A_598 = arith.constant 1 : i32
        %jit3A_599 = arith.constant 0 : i32
        %broadcast_in_dim3A_600 = vector.broadcast %jit3A_598 : i32 to vector<16xi32>
        %broadcast_in_dim3A_601 = vector.broadcast %jit3A_599 : i32 to vector<16xi32>
        %select_n3A_602 = arith.select %ge3A_597, %broadcast_in_dim3A_600, %broadcast_in_dim3A_601 : vector<16xi1>, vector<16xi32>
        %add3A_603 = arith.addi %add3A_593, %select_n3A_602 : vector<16xi32>
        %get3A_604 = arith.constant 688 : index
        %get3A_605 = tpu.vector_load %arg10[%get3A_604] {strides = array<i32>} : memref<1024xi32, #tpu.memory_space<vmem>>, vector<16xi32>,
        %ge3A_606 = vector.broadcast %add3A_172 : i32 to vector<16xi32>
        %ge3A_607 = arith.cmpi sge, %get3A_605, %ge3A_606 : vector<16xi32>
        %jit3A_608 = arith.constant 1 : i32
        %jit3A_609 = arith.constant 0 : i32
        %broadcast_in_dim3A_610 = vector.broadcast %jit3A_608 : i32 to vector<16xi32>
        %broadcast_in_dim3A_611 = vector.broadcast %jit3A_609 : i32 to vector<16xi32>
        %select_n3A_612 = arith.select %ge3A_607, %broadcast_in_dim3A_610, %broadcast_in_dim3A_611 : vector<16xi1>, vector<16xi32>
        %add3A_613 = arith.addi %add3A_603, %select_n3A_612 : vector<16xi32>
        %get3A_614 = arith.constant 704 : index
        %get3A_615 = tpu.vector_load %arg10[%get3A_614] {strides = array<i32>} : memref<1024xi32, #tpu.memory_space<vmem>>, vector<16xi32>,
        %ge3A_616 = vector.broadcast %add3A_172 : i32 to vector<16xi32>
        %ge3A_617 = arith.cmpi sge, %get3A_615, %ge3A_616 : vector<16xi32>
        %jit3A_618 = arith.constant 1 : i32
        %jit3A_619 = arith.constant 0 : i32
        %broadcast_in_dim3A_620 = vector.broadcast %jit3A_618 : i32 to vector<16xi32>
        %broadcast_in_dim3A_621 = vector.broadcast %jit3A_619 : i32 to vector<16xi32>
        %select_n3A_622 = arith.select %ge3A_617, %broadcast_in_dim3A_620, %broadcast_in_dim3A_621 : vector<16xi1>, vector<16xi32>
        %add3A_623 = arith.addi %add3A_613, %select_n3A_622 : vector<16xi32>
        %get3A_624 = arith.constant 720 : index
        %get3A_625 = tpu.vector_load %arg10[%get3A_624] {strides = array<i32>} : memref<1024xi32, #tpu.memory_space<vmem>>, vector<16xi32>,
        %ge3A_626 = vector.broadcast %add3A_172 : i32 to vector<16xi32>
        %ge3A_627 = arith.cmpi sge, %get3A_625, %ge3A_626 : vector<16xi32>
        %jit3A_628 = arith.constant 1 : i32
        %jit3A_629 = arith.constant 0 : i32
        %broadcast_in_dim3A_630 = vector.broadcast %jit3A_628 : i32 to vector<16xi32>
        %broadcast_in_dim3A_631 = vector.broadcast %jit3A_629 : i32 to vector<16xi32>
        %select_n3A_632 = arith.select %ge3A_627, %broadcast_in_dim3A_630, %broadcast_in_dim3A_631 : vector<16xi1>, vector<16xi32>
        %add3A_633 = arith.addi %add3A_623, %select_n3A_632 : vector<16xi32>
        %get3A_634 = arith.constant 736 : index
        %get3A_635 = tpu.vector_load %arg10[%get3A_634] {strides = array<i32>} : memref<1024xi32, #tpu.memory_space<vmem>>, vector<16xi32>,
        %ge3A_636 = vector.broadcast %add3A_172 : i32 to vector<16xi32>
        %ge3A_637 = arith.cmpi sge, %get3A_635, %ge3A_636 : vector<16xi32>
        %jit3A_638 = arith.constant 1 : i32
        %jit3A_639 = arith.constant 0 : i32
        %broadcast_in_dim3A_640 = vector.broadcast %jit3A_638 : i32 to vector<16xi32>
        %broadcast_in_dim3A_641 = vector.broadcast %jit3A_639 : i32 to vector<16xi32>
        %select_n3A_642 = arith.select %ge3A_637, %broadcast_in_dim3A_640, %broadcast_in_dim3A_641 : vector<16xi1>, vector<16xi32>
        %add3A_643 = arith.addi %add3A_633, %select_n3A_642 : vector<16xi32>
        %get3A_644 = arith.constant 752 : index
        %get3A_645 = tpu.vector_load %arg10[%get3A_644] {strides = array<i32>} : memref<1024xi32, #tpu.memory_space<vmem>>, vector<16xi32>,
        %ge3A_646 = vector.broadcast %add3A_172 : i32 to vector<16xi32>
        %ge3A_647 = arith.cmpi sge, %get3A_645, %ge3A_646 : vector<16xi32>
        %jit3A_648 = arith.constant 1 : i32
        %jit3A_649 = arith.constant 0 : i32
        %broadcast_in_dim3A_650 = vector.broadcast %jit3A_648 : i32 to vector<16xi32>
        %broadcast_in_dim3A_651 = vector.broadcast %jit3A_649 : i32 to vector<16xi32>
        %select_n3A_652 = arith.select %ge3A_647, %broadcast_in_dim3A_650, %broadcast_in_dim3A_651 : vector<16xi1>, vector<16xi32>
        %add3A_653 = arith.addi %add3A_643, %select_n3A_652 : vector<16xi32>
        %get3A_654 = arith.constant 768 : index
        %get3A_655 = tpu.vector_load %arg10[%get3A_654] {strides = array<i32>} : memref<1024xi32, #tpu.memory_space<vmem>>, vector<16xi32>,
        %ge3A_656 = vector.broadcast %add3A_172 : i32 to vector<16xi32>
        %ge3A_657 = arith.cmpi sge, %get3A_655, %ge3A_656 : vector<16xi32>
        %jit3A_658 = arith.constant 1 : i32
        %jit3A_659 = arith.constant 0 : i32
        %broadcast_in_dim3A_660 = vector.broadcast %jit3A_658 : i32 to vector<16xi32>
        %broadcast_in_dim3A_661 = vector.broadcast %jit3A_659 : i32 to vector<16xi32>
        %select_n3A_662 = arith.select %ge3A_657, %broadcast_in_dim3A_660, %broadcast_in_dim3A_661 : vector<16xi1>, vector<16xi32>
        %add3A_663 = arith.addi %add3A_653, %select_n3A_662 : vector<16xi32>
        %get3A_664 = arith.constant 784 : index
        %get3A_665 = tpu.vector_load %arg10[%get3A_664] {strides = array<i32>} : memref<1024xi32, #tpu.memory_space<vmem>>, vector<16xi32>,
        %ge3A_666 = vector.broadcast %add3A_172 : i32 to vector<16xi32>
        %ge3A_667 = arith.cmpi sge, %get3A_665, %ge3A_666 : vector<16xi32>
        %jit3A_668 = arith.constant 1 : i32
        %jit3A_669 = arith.constant 0 : i32
        %broadcast_in_dim3A_670 = vector.broadcast %jit3A_668 : i32 to vector<16xi32>
        %broadcast_in_dim3A_671 = vector.broadcast %jit3A_669 : i32 to vector<16xi32>
        %select_n3A_672 = arith.select %ge3A_667, %broadcast_in_dim3A_670, %broadcast_in_dim3A_671 : vector<16xi1>, vector<16xi32>
        %add3A_673 = arith.addi %add3A_663, %select_n3A_672 : vector<16xi32>
        %get3A_674 = arith.constant 800 : index
        %get3A_675 = tpu.vector_load %arg10[%get3A_674] {strides = array<i32>} : memref<1024xi32, #tpu.memory_space<vmem>>, vector<16xi32>,
        %ge3A_676 = vector.broadcast %add3A_172 : i32 to vector<16xi32>
        %ge3A_677 = arith.cmpi sge, %get3A_675, %ge3A_676 : vector<16xi32>
        %jit3A_678 = arith.constant 1 : i32
        %jit3A_679 = arith.constant 0 : i32
        %broadcast_in_dim3A_680 = vector.broadcast %jit3A_678 : i32 to vector<16xi32>
        %broadcast_in_dim3A_681 = vector.broadcast %jit3A_679 : i32 to vector<16xi32>
        %select_n3A_682 = arith.select %ge3A_677, %broadcast_in_dim3A_680, %broadcast_in_dim3A_681 : vector<16xi1>, vector<16xi32>
        %add3A_683 = arith.addi %add3A_673, %select_n3A_682 : vector<16xi32>
        %get3A_684 = arith.constant 816 : index
        %get3A_685 = tpu.vector_load %arg10[%get3A_684] {strides = array<i32>} : memref<1024xi32, #tpu.memory_space<vmem>>, vector<16xi32>,
        %ge3A_686 = vector.broadcast %add3A_172 : i32 to vector<16xi32>
        %ge3A_687 = arith.cmpi sge, %get3A_685, %ge3A_686 : vector<16xi32>
        %jit3A_688 = arith.constant 1 : i32
        %jit3A_689 = arith.constant 0 : i32
        %broadcast_in_dim3A_690 = vector.broadcast %jit3A_688 : i32 to vector<16xi32>
        %broadcast_in_dim3A_691 = vector.broadcast %jit3A_689 : i32 to vector<16xi32>
        %select_n3A_692 = arith.select %ge3A_687, %broadcast_in_dim3A_690, %broadcast_in_dim3A_691 : vector<16xi1>, vector<16xi32>
        %add3A_693 = arith.addi %add3A_683, %select_n3A_692 : vector<16xi32>
        %get3A_694 = arith.constant 832 : index
        %get3A_695 = tpu.vector_load %arg10[%get3A_694] {strides = array<i32>} : memref<1024xi32, #tpu.memory_space<vmem>>, vector<16xi32>,
        %ge3A_696 = vector.broadcast %add3A_172 : i32 to vector<16xi32>
        %ge3A_697 = arith.cmpi sge, %get3A_695, %ge3A_696 : vector<16xi32>
        %jit3A_698 = arith.constant 1 : i32
        %jit3A_699 = arith.constant 0 : i32
        %broadcast_in_dim3A_700 = vector.broadcast %jit3A_698 : i32 to vector<16xi32>
        %broadcast_in_dim3A_701 = vector.broadcast %jit3A_699 : i32 to vector<16xi32>
        %select_n3A_702 = arith.select %ge3A_697, %broadcast_in_dim3A_700, %broadcast_in_dim3A_701 : vector<16xi1>, vector<16xi32>
        %add3A_703 = arith.addi %add3A_693, %select_n3A_702 : vector<16xi32>
        %get3A_704 = arith.constant 848 : index
        %get3A_705 = tpu.vector_load %arg10[%get3A_704] {strides = array<i32>} : memref<1024xi32, #tpu.memory_space<vmem>>, vector<16xi32>,
        %ge3A_706 = vector.broadcast %add3A_172 : i32 to vector<16xi32>
        %ge3A_707 = arith.cmpi sge, %get3A_705, %ge3A_706 : vector<16xi32>
        %jit3A_708 = arith.constant 1 : i32
        %jit3A_709 = arith.constant 0 : i32
        %broadcast_in_dim3A_710 = vector.broadcast %jit3A_708 : i32 to vector<16xi32>
        %broadcast_in_dim3A_711 = vector.broadcast %jit3A_709 : i32 to vector<16xi32>
        %select_n3A_712 = arith.select %ge3A_707, %broadcast_in_dim3A_710, %broadcast_in_dim3A_711 : vector<16xi1>, vector<16xi32>
        %add3A_713 = arith.addi %add3A_703, %select_n3A_712 : vector<16xi32>
        %get3A_714 = arith.constant 864 : index
        %get3A_715 = tpu.vector_load %arg10[%get3A_714] {strides = array<i32>} : memref<1024xi32, #tpu.memory_space<vmem>>, vector<16xi32>,
        %ge3A_716 = vector.broadcast %add3A_172 : i32 to vector<16xi32>
        %ge3A_717 = arith.cmpi sge, %get3A_715, %ge3A_716 : vector<16xi32>
        %jit3A_718 = arith.constant 1 : i32
        %jit3A_719 = arith.constant 0 : i32
        %broadcast_in_dim3A_720 = vector.broadcast %jit3A_718 : i32 to vector<16xi32>
        %broadcast_in_dim3A_721 = vector.broadcast %jit3A_719 : i32 to vector<16xi32>
        %select_n3A_722 = arith.select %ge3A_717, %broadcast_in_dim3A_720, %broadcast_in_dim3A_721 : vector<16xi1>, vector<16xi32>
        %add3A_723 = arith.addi %add3A_713, %select_n3A_722 : vector<16xi32>
        %get3A_724 = arith.constant 880 : index
        %get3A_725 = tpu.vector_load %arg10[%get3A_724] {strides = array<i32>} : memref<1024xi32, #tpu.memory_space<vmem>>, vector<16xi32>,
        %ge3A_726 = vector.broadcast %add3A_172 : i32 to vector<16xi32>
        %ge3A_727 = arith.cmpi sge, %get3A_725, %ge3A_726 : vector<16xi32>
        %jit3A_728 = arith.constant 1 : i32
        %jit3A_729 = arith.constant 0 : i32
        %broadcast_in_dim3A_730 = vector.broadcast %jit3A_728 : i32 to vector<16xi32>
        %broadcast_in_dim3A_731 = vector.broadcast %jit3A_729 : i32 to vector<16xi32>
        %select_n3A_732 = arith.select %ge3A_727, %broadcast_in_dim3A_730, %broadcast_in_dim3A_731 : vector<16xi1>, vector<16xi32>
        %add3A_733 = arith.addi %add3A_723, %select_n3A_732 : vector<16xi32>
        %get3A_734 = arith.constant 896 : index
        %get3A_735 = tpu.vector_load %arg10[%get3A_734] {strides = array<i32>} : memref<1024xi32, #tpu.memory_space<vmem>>, vector<16xi32>,
        %ge3A_736 = vector.broadcast %add3A_172 : i32 to vector<16xi32>
        %ge3A_737 = arith.cmpi sge, %get3A_735, %ge3A_736 : vector<16xi32>
        %jit3A_738 = arith.constant 1 : i32
        %jit3A_739 = arith.constant 0 : i32
        %broadcast_in_dim3A_740 = vector.broadcast %jit3A_738 : i32 to vector<16xi32>
        %broadcast_in_dim3A_741 = vector.broadcast %jit3A_739 : i32 to vector<16xi32>
        %select_n3A_742 = arith.select %ge3A_737, %broadcast_in_dim3A_740, %broadcast_in_dim3A_741 : vector<16xi1>, vector<16xi32>
        %add3A_743 = arith.addi %add3A_733, %select_n3A_742 : vector<16xi32>
        %get3A_744 = arith.constant 912 : index
        %get3A_745 = tpu.vector_load %arg10[%get3A_744] {strides = array<i32>} : memref<1024xi32, #tpu.memory_space<vmem>>, vector<16xi32>,
        %ge3A_746 = vector.broadcast %add3A_172 : i32 to vector<16xi32>
        %ge3A_747 = arith.cmpi sge, %get3A_745, %ge3A_746 : vector<16xi32>
        %jit3A_748 = arith.constant 1 : i32
        %jit3A_749 = arith.constant 0 : i32
        %broadcast_in_dim3A_750 = vector.broadcast %jit3A_748 : i32 to vector<16xi32>
        %broadcast_in_dim3A_751 = vector.broadcast %jit3A_749 : i32 to vector<16xi32>
        %select_n3A_752 = arith.select %ge3A_747, %broadcast_in_dim3A_750, %broadcast_in_dim3A_751 : vector<16xi1>, vector<16xi32>
        %add3A_753 = arith.addi %add3A_743, %select_n3A_752 : vector<16xi32>
        %get3A_754 = arith.constant 928 : index
        %get3A_755 = tpu.vector_load %arg10[%get3A_754] {strides = array<i32>} : memref<1024xi32, #tpu.memory_space<vmem>>, vector<16xi32>,
        %ge3A_756 = vector.broadcast %add3A_172 : i32 to vector<16xi32>
        %ge3A_757 = arith.cmpi sge, %get3A_755, %ge3A_756 : vector<16xi32>
        %jit3A_758 = arith.constant 1 : i32
        %jit3A_759 = arith.constant 0 : i32
        %broadcast_in_dim3A_760 = vector.broadcast %jit3A_758 : i32 to vector<16xi32>
        %broadcast_in_dim3A_761 = vector.broadcast %jit3A_759 : i32 to vector<16xi32>
        %select_n3A_762 = arith.select %ge3A_757, %broadcast_in_dim3A_760, %broadcast_in_dim3A_761 : vector<16xi1>, vector<16xi32>
        %add3A_763 = arith.addi %add3A_753, %select_n3A_762 : vector<16xi32>
        %get3A_764 = arith.constant 944 : index
        %get3A_765 = tpu.vector_load %arg10[%get3A_764] {strides = array<i32>} : memref<1024xi32, #tpu.memory_space<vmem>>, vector<16xi32>,
        %ge3A_766 = vector.broadcast %add3A_172 : i32 to vector<16xi32>
        %ge3A_767 = arith.cmpi sge, %get3A_765, %ge3A_766 : vector<16xi32>
        %jit3A_768 = arith.constant 1 : i32
        %jit3A_769 = arith.constant 0 : i32
        %broadcast_in_dim3A_770 = vector.broadcast %jit3A_768 : i32 to vector<16xi32>
        %broadcast_in_dim3A_771 = vector.broadcast %jit3A_769 : i32 to vector<16xi32>
        %select_n3A_772 = arith.select %ge3A_767, %broadcast_in_dim3A_770, %broadcast_in_dim3A_771 : vector<16xi1>, vector<16xi32>
        %add3A_773 = arith.addi %add3A_763, %select_n3A_772 : vector<16xi32>
        %get3A_774 = arith.constant 960 : index
        %get3A_775 = tpu.vector_load %arg10[%get3A_774] {strides = array<i32>} : memref<1024xi32, #tpu.memory_space<vmem>>, vector<16xi32>,
        %ge3A_776 = vector.broadcast %add3A_172 : i32 to vector<16xi32>
        %ge3A_777 = arith.cmpi sge, %get3A_775, %ge3A_776 : vector<16xi32>
        %jit3A_778 = arith.constant 1 : i32
        %jit3A_779 = arith.constant 0 : i32
        %broadcast_in_dim3A_780 = vector.broadcast %jit3A_778 : i32 to vector<16xi32>
        %broadcast_in_dim3A_781 = vector.broadcast %jit3A_779 : i32 to vector<16xi32>
        %select_n3A_782 = arith.select %ge3A_777, %broadcast_in_dim3A_780, %broadcast_in_dim3A_781 : vector<16xi1>, vector<16xi32>
        %add3A_783 = arith.addi %add3A_773, %select_n3A_782 : vector<16xi32>
        %get3A_784 = arith.constant 976 : index
        %get3A_785 = tpu.vector_load %arg10[%get3A_784] {strides = array<i32>} : memref<1024xi32, #tpu.memory_space<vmem>>, vector<16xi32>,
        %ge3A_786 = vector.broadcast %add3A_172 : i32 to vector<16xi32>
        %ge3A_787 = arith.cmpi sge, %get3A_785, %ge3A_786 : vector<16xi32>
        %jit3A_788 = arith.constant 1 : i32
        %jit3A_789 = arith.constant 0 : i32
        %broadcast_in_dim3A_790 = vector.broadcast %jit3A_788 : i32 to vector<16xi32>
        %broadcast_in_dim3A_791 = vector.broadcast %jit3A_789 : i32 to vector<16xi32>
        %select_n3A_792 = arith.select %ge3A_787, %broadcast_in_dim3A_790, %broadcast_in_dim3A_791 : vector<16xi1>, vector<16xi32>
        %add3A_793 = arith.addi %add3A_783, %select_n3A_792 : vector<16xi32>
        %get3A_794 = arith.constant 992 : index
        %get3A_795 = tpu.vector_load %arg10[%get3A_794] {strides = array<i32>} : memref<1024xi32, #tpu.memory_space<vmem>>, vector<16xi32>,
        %ge3A_796 = vector.broadcast %add3A_172 : i32 to vector<16xi32>
        %ge3A_797 = arith.cmpi sge, %get3A_795, %ge3A_796 : vector<16xi32>
        %jit3A_798 = arith.constant 1 : i32
        %jit3A_799 = arith.constant 0 : i32
        %broadcast_in_dim3A_800 = vector.broadcast %jit3A_798 : i32 to vector<16xi32>
        %broadcast_in_dim3A_801 = vector.broadcast %jit3A_799 : i32 to vector<16xi32>
        %select_n3A_802 = arith.select %ge3A_797, %broadcast_in_dim3A_800, %broadcast_in_dim3A_801 : vector<16xi1>, vector<16xi32>
        %add3A_803 = arith.addi %add3A_793, %select_n3A_802 : vector<16xi32>
        %get3A_804 = arith.constant 1008 : index
        %get3A_805 = tpu.vector_load %arg10[%get3A_804] {strides = array<i32>} : memref<1024xi32, #tpu.memory_space<vmem>>, vector<16xi32>,
        %ge3A_806 = vector.broadcast %add3A_172 : i32 to vector<16xi32>
        %ge3A_807 = arith.cmpi sge, %get3A_805, %ge3A_806 : vector<16xi32>
        %jit3A_808 = arith.constant 1 : i32
        %jit3A_809 = arith.constant 0 : i32
        %broadcast_in_dim3A_810 = vector.broadcast %jit3A_808 : i32 to vector<16xi32>
        %broadcast_in_dim3A_811 = vector.broadcast %jit3A_809 : i32 to vector<16xi32>
        %select_n3A_812 = arith.select %ge3A_807, %broadcast_in_dim3A_810, %broadcast_in_dim3A_811 : vector<16xi1>, vector<16xi32>
        %add3A_813 = arith.addi %add3A_803, %select_n3A_812 : vector<16xi32>
        %reduce_sum3A_814 = arith.constant true
        %reduce_sum3A_815 = vector.broadcast %reduce_sum3A_814 : i1 to vector<16xi1>
        %reduce_sum3A_816 = tpu.scan <sum>, %add3A_813 masked %reduce_sum3A_815 : vector<16xi32>, vector<16xi1> -> vector<16xi32>
        %reduce_sum3A_817 = vector.extract %reduce_sum3A_816[15] : i32 from vector<16xi32>
        %ge3A_818 = arith.constant 102 : i32
        %ge3A_819 = arith.cmpi sge, %reduce_sum3A_817, %ge3A_818 : i32
        %select_n3A_820 = arith.select %ge3A_819, %add3A_172, %scan3A_164 : i32
        %sub3A_821 = arith.constant 1 : i32
        %sub3A_822 = arith.subi %add3A_172, %sub3A_821 : i32
        %select_n3A_823 = arith.select %ge3A_819, %scan3A_165, %sub3A_822 : i32
        scf.yield %select_n3A_820, %select_n3A_823 : i32, i32
      }
      %scan3A_134 = arith.constant 31 : i32
      %broadcast_in_dim3A_135 = arith.constant 0 : i32
      %broadcast_in_dim3A_136 = vector.broadcast %broadcast_in_dim3A_135 : i32 to vector<16xi32>
      %scan3A_137 = arith.constant 0 : i32
      %scan3A_138 = arith.constant 64 : i32
      %scan3A_139 = arith.addi %scan3A_137, %scan3A_138 : i32
      %scan3A_140 = arith.constant 1 : i32
      %scan3A_141 = scf.for %scan3A_163 = %scan3A_137 to %scan3A_139 step %scan3A_140 iter_args(%scan3A_164 = %broadcast_in_dim3A_136) -> (vector<16xi32>)  : i32 {
        %mul3A_165 = arith.constant 16 : i32
        %mul3A_166 = arith.muli %scan3A_163, %mul3A_165 : i32
        %get3A = arith.index_cast %mul3A_166 : i32 to index
        %get3A_167 = tpu.vector_load %arg10[%get3A] {strides = array<i32>} : memref<1024xi32, #tpu.memory_space<vmem>>, vector<16xi32>,
        %gt3A = vector.broadcast %scan3A_133#0 : i32 to vector<16xi32>
        %gt3A_168 = arith.cmpi sgt, %get3A_167, %gt3A : vector<16xi32>
        %jit3A_169 = arith.constant 1 : i32
        %jit3A_170 = arith.constant 0 : i32
        %broadcast_in_dim3A_171 = vector.broadcast %jit3A_169 : i32 to vector<16xi32>
        %broadcast_in_dim3A_172 = vector.broadcast %jit3A_170 : i32 to vector<16xi32>
        %select_n3A_173 = arith.select %gt3A_168, %broadcast_in_dim3A_171, %broadcast_in_dim3A_172 : vector<16xi1>, vector<16xi32>
        %add3A_174 = arith.addi %scan3A_164, %select_n3A_173 : vector<16xi32>
        scf.yield %add3A_174 : vector<16xi32>
      }
      %scan3A_142 = arith.constant 64 : i32
      %reduce_sum3A_143 = arith.constant true
      %reduce_sum3A_144 = vector.broadcast %reduce_sum3A_143 : i1 to vector<16xi1>
      %reduce_sum3A_145 = tpu.scan <sum>, %scan3A_141 masked %reduce_sum3A_144 : vector<16xi32>, vector<16xi1> -> vector<16xi32>
      %reduce_sum3A_146 = vector.extract %reduce_sum3A_145[15] : i32 from vector<16xi32>
      %sub3A = arith.constant 102 : i32
      %sub3A_147 = arith.subi %sub3A, %reduce_sum3A_146 : i32
      %scan3A_148 = arith.constant 0 : i32
      %scan3A_149 = arith.constant 0 : i32
      %scan3A_150 = arith.constant 8 : i32
      %scan3A_151 = arith.addi %scan3A_149, %scan3A_150 : i32
      %scan3A_152 = arith.constant 1 : i32
      %scan3A_153 = scf.for %scan3A_163 = %scan3A_149 to %scan3A_151 step %scan3A_152 iter_args(%scan3A_164 = %scan3A_148) -> (i32)  : i32 {
        %broadcast_in_dim3A_165 = arith.constant 0 : i32
        %broadcast_in_dim3A_166 = vector.broadcast %broadcast_in_dim3A_165 : i32 to vector<16xi32>
        %mul3A_167 = arith.constant 16 : i32
        %mul3A_168 = arith.muli %scan3A_163, %mul3A_167 : i32
        %swap3A = arith.index_cast %mul3A_168 : i32 to index
        %swap3A_169 = tpu.vector_load %arg11[%swap3A] {strides = array<i32>} : memref<128xi32, #tpu.memory_space<vmem>>, vector<16xi32>,
        tpu.vector_store %arg11[%swap3A], %broadcast_in_dim3A_166 {strides = array<i32>} : memref<128xi32, #tpu.memory_space<vmem>>, vector<16xi32>,
        %scan3A_170 = arith.constant 0 : i32
        scf.yield %scan3A_170 : i32
      }
      %scan3A_154 = arith.constant 8 : i32
      %scan3A_155 = arith.constant 0 : i32
      %scan3A_156 = arith.constant 0 : i32
      %scan3A_157 = arith.constant 0 : i32
      %scan3A_158 = arith.constant 64 : i32
      %scan3A_159 = arith.addi %scan3A_157, %scan3A_158 : i32
      %scan3A_160 = arith.constant 1 : i32
      %scan3A_161:2 = scf.for %scan3A_163 = %scan3A_157 to %scan3A_159 step %scan3A_160 iter_args(%scan3A_164 = %scan3A_155, %scan3A_165 = %scan3A_156) -> (i32, i32)  : i32 {
        %mul3A_166 = arith.constant 16 : i32
        %mul3A_167 = arith.muli %scan3A_163, %mul3A_166 : i32
        %get3A = arith.index_cast %mul3A_167 : i32 to index
        %get3A_168 = tpu.vector_load %arg10[%get3A] {strides = array<i32>} : memref<1024xi32, #tpu.memory_space<vmem>>, vector<16xi32>,
        %iota3A = tpu.iota {dimensions = array<i32: 0>} : vector<16xi32>
        %mul3A_169 = arith.constant 16 : i32
        %mul3A_170 = arith.muli %scan3A_163, %mul3A_169 : i32
        %add3A_171 = vector.broadcast %mul3A_170 : i32 to vector<16xi32>
        %add3A_172 = arith.addi %iota3A, %add3A_171 : vector<16xi32>
        %gt3A = vector.broadcast %scan3A_133#0 : i32 to vector<16xi32>
        %gt3A_173 = arith.cmpi sgt, %get3A_168, %gt3A : vector<16xi32>
        %eq3A_174 = vector.broadcast %scan3A_133#0 : i32 to vector<16xi32>
        %eq3A_175 = arith.cmpi eq, %get3A_168, %eq3A_174 : vector<16xi32>
        %convert_element_type3A_176 = arith.extui %eq3A_175 : vector<16xi1> to vector<16xi32>
        %broadcast_in_dim3A_177 = arith.constant true
        %broadcast_in_dim3A_178 = vector.broadcast %broadcast_in_dim3A_177 : i1 to vector<16xi1>
        %masked_cumsum3A = tpu.scan <sum>, %convert_element_type3A_176 masked %broadcast_in_dim3A_178 : vector<16xi32>, vector<16xi1> -> vector<16xi32>
        %add3A_179 = vector.broadcast %scan3A_165 : i32 to vector<16xi32>
        %add3A_180 = arith.addi %add3A_179, %masked_cumsum3A : vector<16xi32>
        %sub3A_181 = arith.subi %add3A_180, %convert_element_type3A_176 : vector<16xi32>
        %lt3A_182 = vector.broadcast %sub3A_147 : i32 to vector<16xi32>
        %lt3A_183 = arith.cmpi slt, %sub3A_181, %lt3A_182 : vector<16xi32>
        %and3A = arith.andi %eq3A_175, %lt3A_183 : vector<16xi1>
        %or3A = arith.ori %gt3A_173, %and3A : vector<16xi1>
        %swap3A = arith.index_cast %scan3A_164 : i32 to index
        %swap3A_184 = tpu.vector_load %arg11[%swap3A] masked %or3A {strides = array<i32>} : memref<128xi32, #tpu.memory_space<vmem>>, vector<16xi32>, vector<16xi1>
        tpu.vector_store %arg11[%swap3A], %add3A_172 masked %or3A {strides = array<i32>} : memref<128xi32, #tpu.memory_space<vmem>>, vector<16xi32>, vector<16xi1>
        %convert_element_type3A_185 = arith.extui %or3A : vector<16xi1> to vector<16xi32>
        %reduce_sum3A_186 = arith.constant true
        %reduce_sum3A_187 = vector.broadcast %reduce_sum3A_186 : i1 to vector<16xi1>
        %reduce_sum3A_188 = tpu.scan <sum>, %convert_element_type3A_185 masked %reduce_sum3A_187 : vector<16xi32>, vector<16xi1> -> vector<16xi32>
        %reduce_sum3A_189 = vector.extract %reduce_sum3A_188[15] : i32 from vector<16xi32>
        %add3A_190 = arith.addi %scan3A_164, %reduce_sum3A_189 : i32
        %reduce_sum3A_191 = arith.constant true
        %reduce_sum3A_192 = vector.broadcast %reduce_sum3A_191 : i1 to vector<16xi1>
        %reduce_sum3A_193 = tpu.scan <sum>, %convert_element_type3A_176 masked %reduce_sum3A_192 : vector<16xi32>, vector<16xi1> -> vector<16xi32>
        %reduce_sum3A_194 = vector.extract %reduce_sum3A_193[15] : i32 from vector<16xi32>
        %add3A_195 = arith.addi %scan3A_165, %reduce_sum3A_194 : i32
        scf.yield %add3A_190, %add3A_195 : i32, i32
      }
      %scan3A_162 = arith.constant 64 : i32
      "tpu.region"() ({
        %run_scoped3A = tpu.sem_alloc : memref<!tpu.dma_semaphore, #tpu.memory_space<semaphore_mem>>
        %dma_start3A_163 = arith.constant 0 : i32
        %dma_start3A_164 = tpu.memref_slice %arg11[%dma_start3A_163] : memref<128xi32, #tpu.memory_space<vmem>> -> memref<104xi32, #tpu.memory_space<vmem>>
        %dma_start3A_165 = arith.constant 0 : i32
        %dma_start3A_166 = tpu.memref_slice %arg11[%dma_start3A_165] : memref<128xi32, #tpu.memory_space<vmem>> -> memref<104xi32, #tpu.memory_space<vmem>>
        tpu.enqueue_dma source(%dma_start3A_166 : memref<104xi32, #tpu.memory_space<vmem>>) target(%arg16 : memref<104xi32, #tpu.memory_space<vmem_shared>>) target_semaphore(%run_scoped3A : memref<!tpu.dma_semaphore, #tpu.memory_space<semaphore_mem>>)
        %dma_wait3A_167 = arith.constant 0 : i32
        %dma_wait3A_168 = tpu.memref_slice %arg11[%dma_wait3A_167] : memref<128xi32, #tpu.memory_space<vmem>> -> memref<104xi32, #tpu.memory_space<vmem>>
        %dma_wait3A_169 = arith.constant 0 : i32
        %dma_wait3A_170 = tpu.memref_slice %arg11[%dma_wait3A_169] : memref<128xi32, #tpu.memory_space<vmem>> -> memref<104xi32, #tpu.memory_space<vmem>>
        tpu.wait_dma2 semaphore(%run_scoped3A : memref<!tpu.dma_semaphore, #tpu.memory_space<semaphore_mem>>) src(%dma_wait3A_170 : memref<104xi32, #tpu.memory_space<vmem>>) dst(%arg16 : memref<104xi32, #tpu.memory_space<vmem_shared>>)
        tpu.yield
      }) : () -> ()
    } else {
    }
    %barrier3A_108 = arith.constant 0 : index
    tpu.barrier barrier_id(%barrier3A_108)
    %lt3A_109 = arith.constant 14 : i32
    %lt3A_110 = arith.cmpi slt, %arg1, %lt3A_109 : i32
    %convert_element_type3A_111 = arith.extui %lt3A_110 : i1 to i32
    %cond3A_112 = arith.constant 0 : i32
    %cond3A_113 = arith.cmpi ne, %convert_element_type3A_111, %cond3A_112 : i32
    scf.if %cond3A_113 {
      %mul3A_114 = arith.constant 2 : i32
      %mul3A_115 = arith.muli %arg0, %mul3A_114 : i32
      %jit3A = arith.constant 7 : i32
      %div3A = arith.divsi %arg1, %jit3A : i32
      %sign3A = arith.constant 0 : i32
      %sign3A_116 = arith.cmpi sgt, %arg1, %sign3A : i32
      %sign3A_117 = arith.extui %sign3A_116 : i1 to i32
      %sign3A_118 = arith.constant 0 : i32
      %sign3A_119 = arith.cmpi slt, %arg1, %sign3A_118 : i32
      %sign3A_120 = arith.extui %sign3A_119 : i1 to i32
      %sign3A_121 = arith.subi %sign3A_117, %sign3A_120 : i32
      %sign3A_122 = arith.constant 0 : i32
      %sign3A_123 = arith.cmpi sgt, %jit3A, %sign3A_122 : i32
      %sign3A_124 = arith.extui %sign3A_123 : i1 to i32
      %sign3A_125 = arith.constant 0 : i32
      %sign3A_126 = arith.cmpi slt, %jit3A, %sign3A_125 : i32
      %sign3A_127 = arith.extui %sign3A_126 : i1 to i32
      %sign3A_128 = arith.subi %sign3A_124, %sign3A_127 : i32
      %ne3A = arith.cmpi ne, %sign3A_121, %sign3A_128 : i32
      %rem3A = arith.remsi %arg1, %jit3A : i32
      %ne3A_129 = arith.constant 0 : i32
      %ne3A_130 = arith.cmpi ne, %rem3A, %ne3A_129 : i32
      %and3A = arith.andi %ne3A, %ne3A_130 : i1
      %sub3A = arith.constant 1 : i32
      %sub3A_131 = arith.subi %div3A, %sub3A : i32
      %select_n3A = arith.select %and3A, %sub3A_131, %div3A : i32
      %add3A_132 = arith.addi %mul3A_115, %select_n3A : i32
      %rem3A_133 = arith.constant 7 : i32
      %rem3A_134 = arith.remsi %arg1, %rem3A_133 : i32
      %eq3A_135 = arith.constant 6 : i32
      %eq3A_136 = arith.cmpi eq, %rem3A_134, %eq3A_135 : i32
      %mul3A_137 = arith.constant 16 : i32
      %mul3A_138 = arith.muli %rem3A_134, %mul3A_137 : i32
      %jit3A_139 = arith.constant 88 : i32
      %select_n3A_140 = arith.select %eq3A_136, %jit3A_139, %mul3A_138 : i32
      %multiple_of3A_141 = tpu.assume_multiple %select_n3A_140, 8 : i32
      "tpu.region"() ({
        %run_scoped3A = tpu.sem_alloc : memref<!tpu.dma_semaphore, #tpu.memory_space<semaphore_mem>>
        %dma_start3A_153 = tpu.memref_slice %arg16[%multiple_of3A_141] : memref<104xi32, #tpu.memory_space<vmem_shared>> -> memref<16xi32, #tpu.memory_space<vmem_shared>>
        %dma_start3A_154 = tpu.memref_slice %arg16[%multiple_of3A_141] : memref<104xi32, #tpu.memory_space<vmem_shared>> -> memref<16xi32, #tpu.memory_space<vmem_shared>>
        tpu.enqueue_dma source(%dma_start3A_154 : memref<16xi32, #tpu.memory_space<vmem_shared>>) target(%arg12 : memref<16xi32, #tpu.memory_space<vmem>>) target_semaphore(%run_scoped3A : memref<!tpu.dma_semaphore, #tpu.memory_space<semaphore_mem>>)
        %dma_wait3A_155 = tpu.memref_slice %arg16[%multiple_of3A_141] : memref<104xi32, #tpu.memory_space<vmem_shared>> -> memref<16xi32, #tpu.memory_space<vmem_shared>>
        %dma_wait3A_156 = tpu.memref_slice %arg16[%multiple_of3A_141] : memref<104xi32, #tpu.memory_space<vmem_shared>> -> memref<16xi32, #tpu.memory_space<vmem_shared>>
        tpu.wait_dma2 semaphore(%run_scoped3A : memref<!tpu.dma_semaphore, #tpu.memory_space<semaphore_mem>>) src(%dma_wait3A_156 : memref<16xi32, #tpu.memory_space<vmem_shared>>) dst(%arg12 : memref<16xi32, #tpu.memory_space<vmem>>)
        tpu.yield
      }) : () -> ()
      %get3A = arith.constant 0 : index
      %get3A_142 = tpu.vector_load %arg12[%get3A] {strides = array<i32>} : memref<16xi32, #tpu.memory_space<vmem>>, vector<16xi32>,
      %mul3A_143 = arith.constant 1024 : i32
      %mul3A_144 = arith.muli %add3A_132, %mul3A_143 : i32
      %add3A_145 = vector.broadcast %mul3A_144 : i32 to vector<16xi32>
      %add3A_146 = arith.addi %get3A_142, %add3A_145 : vector<16xi32>
      %dma_start3A_147 = arith.constant 0 : i32
      %dma_start3A_148 = arith.constant 0 : i32
      %dma_start3A_149 = tpu.memref_slice %arg3[%dma_start3A_147, %dma_start3A_148] : memref<4096x768xf32, #tpu.memory_space<hbm>> -> memref<4096x768xf32, #tpu.memory_space<hbm>>
      tpu.enqueue_indirect_dma source(%dma_start3A_149 : memref<4096x768xf32, #tpu.memory_space<hbm>>) target(%arg13 : memref<16x768xf32, #tpu.memory_space<vmem>>) offsets(%add3A_146 : vector<16xi32>) semaphore(%arg17 : memref<!tpu.dma_semaphore, #tpu.memory_space<semaphore_mem>>)
      %dma_wait3A_150 = arith.constant 0 : i32
      %dma_wait3A_151 = arith.constant 0 : i32
      %dma_wait3A_152 = tpu.memref_slice %arg3[%dma_wait3A_150, %dma_wait3A_151] : memref<4096x768xf32, #tpu.memory_space<hbm>> -> memref<4096x768xf32, #tpu.memory_space<hbm>>
      tpu.wait_indirect_dma semaphore(%arg17 : memref<!tpu.dma_semaphore, #tpu.memory_space<semaphore_mem>>) src(%dma_wait3A_152 : memref<4096x768xf32, #tpu.memory_space<hbm>>) dst(%arg13 : memref<16x768xf32, #tpu.memory_space<vmem>>)
      "tpu.region"() ({
        %run_scoped3A = tpu.sem_alloc : memref<!tpu.dma_semaphore, #tpu.memory_space<semaphore_mem>>
        %dma_start3A_153 = arith.constant 0 : i32
        %dma_start3A_154 = tpu.memref_slice %arg4[%add3A_132, %multiple_of3A_141, %dma_start3A_153] : memref<4x104x768xf32, #tpu.memory_space<hbm>> -> memref<1x16x768xf32, #tpu.memory_space<hbm>>
        %dma_start3A_155 = tpu.memref_squeeze %dma_start3A_154 : memref<1x16x768xf32, #tpu.memory_space<hbm>> -> memref<16x768xf32, #tpu.memory_space<hbm>>
        %dma_start3A_156 = arith.constant 0 : i32
        %dma_start3A_157 = tpu.memref_slice %arg4[%add3A_132, %multiple_of3A_141, %dma_start3A_156] : memref<4x104x768xf32, #tpu.memory_space<hbm>> -> memref<1x16x768xf32, #tpu.memory_space<hbm>>
        %dma_start3A_158 = tpu.memref_squeeze %dma_start3A_157 : memref<1x16x768xf32, #tpu.memory_space<hbm>> -> memref<16x768xf32, #tpu.memory_space<hbm>>
        tpu.enqueue_dma source(%arg13 : memref<16x768xf32, #tpu.memory_space<vmem>>) target(%dma_start3A_158 : memref<16x768xf32, #tpu.memory_space<hbm>>) target_semaphore(%run_scoped3A : memref<!tpu.dma_semaphore, #tpu.memory_space<semaphore_mem>>)
        %dma_wait3A_159 = arith.constant 0 : i32
        %dma_wait3A_160 = tpu.memref_slice %arg4[%add3A_132, %multiple_of3A_141, %dma_wait3A_159] : memref<4x104x768xf32, #tpu.memory_space<hbm>> -> memref<1x16x768xf32, #tpu.memory_space<hbm>>
        %dma_wait3A_161 = tpu.memref_squeeze %dma_wait3A_160 : memref<1x16x768xf32, #tpu.memory_space<hbm>> -> memref<16x768xf32, #tpu.memory_space<hbm>>
        %dma_wait3A_162 = arith.constant 0 : i32
        %dma_wait3A_163 = tpu.memref_slice %arg4[%add3A_132, %multiple_of3A_141, %dma_wait3A_162] : memref<4x104x768xf32, #tpu.memory_space<hbm>> -> memref<1x16x768xf32, #tpu.memory_space<hbm>>
        %dma_wait3A_164 = tpu.memref_squeeze %dma_wait3A_163 : memref<1x16x768xf32, #tpu.memory_space<hbm>> -> memref<16x768xf32, #tpu.memory_space<hbm>>
        tpu.wait_dma2 semaphore(%run_scoped3A : memref<!tpu.dma_semaphore, #tpu.memory_space<semaphore_mem>>) src(%arg13 : memref<16x768xf32, #tpu.memory_space<vmem>>) dst(%dma_wait3A_164 : memref<16x768xf32, #tpu.memory_space<hbm>>)
        tpu.yield
      }) : () -> ()
    } else {
    }
    return
  }
}

</mosaic_0001>

<sc_bundles>
// kernel: kernel.3.cloned.1.call-start
scs
__scs_entry_jumppad:
0x0: {  	(pc) =	sbr.rel $0x88, $3  }
0x1: {  	(tag) =	ssettag $0x0;
	lr =	simm.s32 $0x1  }
0x2: {  	[smem:$0x3F9F] =	sst lr;
	_ =	strace $0xD0000000  }
0x3: {  	_ = 	snop  }
0x4: {  	_ = 	snop  }
0x5: {  	_ = 	snop  }
0x6: {  	_ = 	snop  }
0x7: {  	_ = 	snop  }
__scs_overlays_trampoline_lowered:
0x8: {  	[smem:$0x3FAE] =	sst s0  }
0x9: {  	[smem:$0x3FAF] =	sst s1  }
0xa: {  	[smem:$0x3FB0] =	sst s2  }
0xb: {  	[smem:$0x3FB1] =	sst s3  }
0xc: {  	[smem:$0x3FB2] =	sst s4  }
0xd: {  	[smem:$0x3FB3] =	sst s5  }
0xe: {  	[smem:$0x3FB4] =	sst s6  }
0xf: {  	[smem:$0x3FB5] =	sst s7  }
0x10: {  	[smem:$0x3FB6] =	sst s8  }
0x11: {  	[smem:$0x3FB7] =	sst s9;
	s0 =	simm.s32 @!p0 $0x0  }
0x12: {  	s1 =	sld [smem:$0x3F9D];
	s0 =	simm.s32 @p0 $0x1  }
0x13: {  	[smem:$0x3FB8] =	sst s0;
	s0 =	simm.s32 @!p1 $0x0  }
0x14: {  	s2 =	sld [smem:$0x3F9C];
	s0 =	simm.s32 @p1 $0x1  }
0x15: {  	[smem:$0x3FB9] =	sst s0;
	s0 =	simm.s32 @!p2 $0x0  }
0x16: {  	s3 =	sld [smem:$0x3FDB];
	s0 =	simm.s32 @p2 $0x1  }
0x17: {  	s4 =	simm.s32 $0x1BF5;
	[smem:$0x3FBB] =	sst s0  }
0x18: {  	s0 =	sld [smem:$0x3F9E];
	_ =	swait.ge [sflag:s4], $0x0  }
0x19: {  	s7 =	sld [smem:$0x3F9F]  }
0x1a: {  	s8 =	sadd.s32 $0xFFFFE003, lr  }
0x1b: {  	s9 =	sadd.s32 $0xFFFFFEF7, lr;
	s5 =	simm.s32 $0xFFFFFFFF;
	p2 =	slt.u32 s8, $0xFFFFF086  }
0x1c: {  	p1 =	slt.u32 s9, $0xF7A;
	s5 =	simm.s32 @!p2 $0x0  }
0x1d: {  	s5 =	simm.s32 @p1 $0x1;
	p0 =	seq.s32 s7, s2  }
0x1e: {  	s7 =	smul.u32 @!p0 $0xF7A, s2;
	p2 =	seq.s32 @!p0 s5, $0x0  }
0x1f: {  	s9 =	smul.u32 $0xF7A, s1;
	s8 =	simm.s32 @!p0 $0x1BF5;
	p2 =	por !p2, p0  }
0x20: {  	[sflag:s8] =	ssyncset.s32 @!p0 $0xFFFFF086;
	s6 =	sadd.s32 @!p0 s3, s7;
	s7 =	simm.s32 @!p0 $0x108  }
0x21: {  	s3 =	sadd.s32 s3, s9;
	s6 =	sadd.s32 @!p0 $0x88, s6;
	s7 =	simm.s32 @p2 $0x1082  }
0x22: {  	[simem:s7], [sflag:s8] =	dma.local @!p0 [hbm:s6], $0xF7A  }
0x23: {  	s9 =	sor.u32 $0xD0000000, s2;
	s6 =	simm.s32 $0x108;
	_ =	swait.ge @!p0 [sflag:s8], $0x0  }
0x24: {  	s3 =	sadd.s32 $0x88, s3;
	s6 =	simm.s32 @!p1 $0x1082;
	[sflag:s4] =	ssyncset.s32 $0xFFFFF086  }
0x25: {  	[simem:s6], [sflag:s4] =	dma.local [hbm:s3], $0xF7A  }
0x26: {  	[smem:$0x3F9F] =	sst s1;
	(tag) =	ssettag s2;
	_ =	strace s9  }
0x27: {  	s1 =	sld [smem:$0x3FAF]  }
0x28: {  	s2 =	sld [smem:$0x3FB0]  }
0x29: {  	s4 =	sld [smem:$0x3FB2]  }
0x2a: {  	p0 =	seq.s32 s5, $0x0;
	s5 =	sld [smem:$0x3FB3]  }
0x2b: {  	s6 =	sld [smem:$0x3FB4]  }
0x2c: {  	s7 =	sld [smem:$0x3FB5]  }
0x2d: {  	s3 =	simm.s32 $0x108;
	s8 =	sld [smem:$0x3FB6]  }
0x2e: {  	s3 =	simm.s32 @!p0 $0x1082;
	s9 =	sld [smem:$0x3FB7]  }
0x2f: {  	lr =	sadd.s32 s0, s3;
	s0 =	sld [smem:$0x3FAE]  }
0x30: {  	s3 =	sld [smem:$0x3FB1]  }
0x31: {  	[smem:$0x3FBA] =	sst s10  }
0x32: {  	s10 =	sld [smem:$0x3FB8];
	_ =	sdelay $0x3  }
0x33: {  	p0 =	seq.s32 s10, $0x1;
	s10 =	sld [smem:$0x3FBA];
	_ =	sdelay $0x3  }
0x34: {  	[smem:$0x3FBA] =	sst s10  }
0x35: {  	s10 =	sld [smem:$0x3FB9];
	_ =	sdelay $0x3  }
0x36: {  	p1 =	seq.s32 s10, $0x1;
	s10 =	sld [smem:$0x3FBA];
	_ =	sdelay $0x3  }
0x37: {  	[smem:$0x3FBA] =	sst s10  }
0x38: {  	s10 =	sld [smem:$0x3FBB]  }
0x39: {  	_ = 	snop;
	(pc) =	sbr.ind lr, $3  }
0x3a: {  	_ = 	snop  }
0x3b: {  	_ = 	snop  }
0x3c: {  	p2 =	seq.s32 s10, $0x1;
	s10 =	sld [smem:$0x3FBA]  }
0x3d: {  	_ =	shalt  }
0x3e: {  	_ =	shalt  }
0x3f: {  	_ =	shalt  }
0x40: {  	_ =	shalt  }
0x41: {  	_ =	shalt  }
0x42: {  	_ =	shalt  }
0x43: {  	_ =	shalt  }
0x44: {  	_ =	shalt  }
0x45: {  	_ =	shalt  }
0x46: {  	_ =	shalt  }
0x47: {  	_ =	shalt  }
0x48: {  	_ =	shalt  }
0x49: {  	_ =	shalt  }
0x4a: {  	_ =	shalt  }
0x4b: {  	_ =	shalt  }
0x4c: {  	_ =	shalt  }
0x4d: {  	_ =	shalt  }
0x4e: {  	_ =	shalt  }
0x4f: {  	_ =	shalt  }
0x50: {  	_ =	shalt  }
0x51: {  	_ =	shalt  }
0x52: {  	_ =	shalt  }
0x53: {  	_ =	shalt  }
0x54: {  	_ =	shalt  }
0x55: {  	_ =	shalt  }
0x56: {  	_ =	shalt  }
0x57: {  	_ =	shalt  }
0x58: {  	_ =	shalt  }
0x59: {  	_ =	shalt  }
0x5a: {  	_ =	shalt  }
0x5b: {  	_ =	shalt  }
0x5c: {  	_ =	shalt  }
0x5d: {  	_ =	shalt  }
0x5e: {  	_ =	shalt  }
0x5f: {  	_ =	shalt  }
0x60: {  	_ =	shalt  }
0x61: {  	_ =	shalt  }
0x62: {  	_ =	shalt  }
0x63: {  	_ =	shalt  }
0x64: {  	_ =	shalt  }
0x65: {  	_ =	shalt  }
0x66: {  	_ =	shalt  }
0x67: {  	_ =	shalt  }
0x68: {  	_ =	shalt  }
0x69: {  	_ =	shalt  }
0x6a: {  	_ =	shalt  }
0x6b: {  	_ =	shalt  }
0x6c: {  	_ =	shalt  }
0x6d: {  	_ =	shalt  }
0x6e: {  	_ =	shalt  }
0x6f: {  	_ =	shalt  }
0x70: {  	_ =	shalt  }
0x71: {  	_ =	shalt  }
0x72: {  	_ =	shalt  }
0x73: {  	_ =	shalt  }
0x74: {  	_ =	shalt  }
0x75: {  	_ =	shalt  }
0x76: {  	_ =	shalt  }
0x77: {  	_ =	shalt  }
0x78: {  	_ =	shalt  }
0x79: {  	_ =	shalt  }
0x7a: {  	_ =	shalt  }
0x7b: {  	_ =	shalt  }
0x7c: {  	_ =	shalt  }
0x7d: {  	_ =	shalt  }
0x7e: {  	_ =	shalt  }
0x7f: {  	_ =	shalt  }
0x80: {  	_ =	shalt  }
0x81: {  	_ =	shalt  }
0x82: {  	_ =	shalt  }
0x83: {  	_ =	shalt  }
0x84: {  	_ =	shalt  }
0x85: {  	_ =	shalt  }
0x86: {  	_ =	shalt  }
0x87: {  	_ =	shalt  }
.Lfunc_end0:
.L_simem_size_0:
called_computation_lowered:
.L_overlay_start_0:
0x88: {  	s2 =	sld [smem:$0x3FD9]  }
0x89: {  	s3 =	sld [smem:$0x3FFE];
	_ =	sdelay $0x1  }
0x8a: {  	s1 =	srdreg.scid  }
0x8b: {  	s0 =	sand.u32 $0x1, s1  }
0x8c: {  	s17 =	sshll.u32 s0, $0xA;
	s2 =	sadd.s32 s3, s2  }
0x8d: {  	s2 =	sadd.s32 s2, s17  }
0x8e: {  	[smem:$0x3FC6] =	sst s2  }
0x8f: {  	_ = 	snop  }
0x90: {  	s2 =	sld [smem:$0x3FC9]  }
0x91: {  	s18 =	sld [smem:$0x3FD0];
	(tm) =	ssettm $0x1  }
0x92: {  	s4 =	sld [smem:$0x3FFB];
	_ =	sdelay $0x3  }
0x93: {  	_ =	strace s4  }
0x94: {  	s4 =	sld [smem:$0x3FFC];
	_ =	sdelay $0x3  }
0x95: {  	_ =	strace s4  }
0x96: {  	s4 =	sld [smem:$0x3FFD];
	_ =	sdelay $0x3  }
0x97: {  	_ =	strace s4  }
0x98: {  	_ =	strace $0x8FFFFFFF  }
0x99: {  	s19 =	sld [smem:$0x3FDB];
	_ =	sdelay $0x1  }
0x9a: {  	s5 =	simm.s32 $_scs_section_size  }
0x9b: {  	s6 =	simm.s32 $_size__tile_overlayer_lowered;
	s7 =	simm.s32 $_tile_overlayer_lowered  }
0x9c: {  	s22 =	simm.s32 $0x1BFF;
	s21 =	sshll.u32 s7, $0x1;
	s4 =	sadd.s32 s5, s19  }
0x9d: {  	s8 =	simm.s32 $0x0;
	s20 =	sshll.u32 s6, $0x1;
	s6 =	sadd.s32 s21, s4  }
0x9e: {  	[timem:s8], [sflag:s22] =	dma.local [hbm:s6], s20  }
0x9f: {  	_ =	swait.ge [sflag:s22], s20  }
0xa0: {  	s5 =	ssub.s32 $0x0, s20;
	[sflag:s22] =	ssyncset.done $0x0  }
0xa1: {  	[sflag:s22] =	ssyncadd.s32 s5;
	_ =	sdelay $0x1  }
0xa2: {  	s23 =	simm.s32 $0x1B8B  }
0xa3: {  	_ =	swait.ge [sflag:s23], $0x1  }
0xa4: {  	[sflag:s23] =	ssyncset.done $0x0  }
0xa5: {  	s25 =	simm.s32 $0x1B8E;
	s24 =	sld [smem:$0x3FFE];
	[sflag:s23] =	ssyncadd.s32 $0xFFFFFFFF  }
0xa6: {  	s26 =	simm.s32 $execute0_lowered;
	[smem:$0x3FD2] =	sst s25  }
0xa7: {  	s6 =	sshll.u32 s26, $0x1;
	_ =	strace $0x80000046;
	[dreg:$0x1] =	wrdreg $0xFFFFFFFF  }
0xa8: {  	s28 =	simm.s32 $_size_execute0_lowered;
	s4 =	sadd.s32 s4, s6;
	[dreg:$0x0] =	wrdreg $0x0  }
0xa9: {  	s6 =	sshll.u32 s28, $0x1;
	[dreg:$0x2] =	wrdreg s4  }
0xaa: {  	[dreg:$0x3] =	wrdreg s6  }
0xab: {  	[dreg:$0x4] =	wrdreg $0xC0  }
0xac: {  	_ =	task [dreg:s8], $0x5FFFF  }
0xad: {  	[dreg:$0x1] =	wrdreg $0xFFFFFFFF  }
0xae: {  	[dreg:$0x0] =	wrdreg $0x60  }
0xaf: {  	[dreg:$0x2] =	wrdreg s18  }
0xb0: {  	[dreg:$0x3] =	wrdreg s2  }
0xb1: {  	[dreg:$0x4] =	wrdreg s24  }
0xb2: {  	[dreg:$0x5] =	wrdreg $0x55800  }
0xb3: {  	[dreg:$0x6] =	wrdreg $0x59800  }
0xb4: {  	[dreg:$0x7] =	wrdreg $0x59C00  }
0xb5: {  	[dreg:$0x8] =	wrdreg $0x9  }
0xb6: {  	_ =	task.clear_ibuf [dreg:s8], $0x9FFFF;
	_ =	strace $0x90000046  }
0xb7: {  	s29 =	simm.s32 $0x9;
	_ =	strace $0x80000048  }
0xb8: {  	_ =	swait.ge [sflag:s29], $0x1  }
0xb9: {  	[sflag:s29] =	ssyncadd.s32 $0xFFFFFFFF  }
0xba: {  	_ =	strace $0x90000048  }
0xbb: {  	_ =	sfence  }
0xbc: {  	s30 =	sld [smem:$0x0];
	_ =	sdelay $0x2  }
0xbd: {  	s31 =	sshll.u32 s1, $0xD;
	s1 =	sshrl.u32 s1, $0x2  }
0xbe: {  	s3 =	sand.u32 $0x4000, s31;
	s1 =	sadd.s32 s1, s30  }
0xbf: {  	s0 =	sor.u32 s3, s0;
	s1 =	sshll.u32 s1, $0x11  }
0xc0: {  	s0 =	sor.u32 s1, s0  }
0xc1: {  	s0 =	sadd.s32 $0x8F2B, s0  }
0xc2: {  	[sflag:s0] =	ssyncadd.remote.s32 $0x1  }
0xc3: {  	_ =	sfence.sel $0xFFFF  }
0xc4: {  	[dreg:$0x0] =	wrdreg $0xFFFFFFFF;
	(pc) =	sbr.abs _section_cstart, $3  }
0xc5: {  	[dreg:$0x1] =	wrdreg $0xFFFFFFFF  }
0xc6: {  	_ =	task.clear_ibuf [dreg:s8], $0x2FFFF;
	_ =	strace $0x9FFFFFFF  }
0xc7: {  	(tm) =	ssettm $0x7FFFFFFF  }
tec
execute0_lowered:
.L_overlay_start_1:
0x0: {  	(tag) =	ssettag $0x1  }
0x1: {  	s0 =	rddreg [dreg:$0x0]  }
0x2: {  	s30 =	rddreg [dreg:$0x1]  }
0x3: {  	s1 =	rddreg [dreg:$0x2]  }
0x4: {  	s2 =	rddreg [dreg:$0x3]  }
0x5: {  	s3 =	srdreg.scid;
	s13 =	rddreg [dreg:$0x4]  }
0x6: {  	s7 =	stileid.u32;
	s14 =	rddreg [dreg:$0x5]  }
0x7: {  	s6 =	simm.s32 $0x1;
	s3 =	sand.u32 $0x1, s3;
	s5 =	sadd.s32 $0xFFFFFFF9, s7  }
0x8: {  	p0 =	sgt.u32 s7, $0x6;
	s11 =	sshll.u32 s7, $0x9;
	s26 =	sshll.u32 s7, $0xA  }
0x9: {  	s12 =	sshll.u32 s7, $0x7;
	s4 =	sshll.u32 s3, $0x1;
	s5 =	smin.u32 s7, s5  }
0xa: {  	s6 =	simm.s32 @!p0 $0x0;
	p0 =	seq.s32 s5, $0x6;
	s8 =	sshll.u32 s5, $0x4  }
0xb: {  	s15 =	sadd.s32 $0x200, s30;
	s9 =	sor.u32 s6, s4;
	s8 =	simm.s32 @p0 $0x58  }
0xc: {  	p1 =	sgt.u32 s7, $0x7;
	s6 =	smul.u32 $0x13800, s9;
	s23 =	sshrl.u32 s8, $0x3  }
0xd: {  	p2 =	sgt.u32 s7, $0xD;
	s3 =	ssub.s32 $0x2, s3;
	s10 =	smul.u32 $0x1800, s23  }
0xe: {  	s29 =	sand.u32 $0x2000, s26;
	s12 =	sand.u32 $0x380, s12;
	s4 =	simm.s32 $0x0  }
0xf: {  	s5 =	simm.s32 $0x1;
	[smem:$0x7FF] =	sst s4;
	s6 =	sadd.s32 s6, s10  }
0x10: {  	_ =	strace $0x80000047;
	s10 =	sadd.s32 s29, s2;
	s6 =	sshrl.u32 s6, $0x3  }
0x11: {  	s10 =	sadd.s32 s12, s10;
	s1 =	sadd.s32 s6, s1;
	s6 =	sadd.s32 s0, s11  }
0x12: {  	[dreg:$0xa] =	wrdreg s10;
	s10 =	sshrl.u32 s11, $0x2;
	s11 =	sadd.s32 s8, s14  }
0x13: {  	s24 =	sshrl.u32 s3, $0x1;
	s0 =	sadd.s32 $0x80, s6;
	[dreg:$0xd] =	wrdreg s11  }
0x14: {  	s3 =	ssub.s32 s3, s24;
	s25 =	sadd.s32 $0x100, s6;
	[dreg:$0x7] =	wrdreg s0  }
0x15: {  	p0 =	sne.s32 s7, $0x0;
	s28 =	sadd.s32 $0x180, s6;
	[dreg:$0x8] =	wrdreg s25  }
0x16: {  	s23 =	sshll.u32 s9, $0xA;
	s12 =	sadd.s32 $0x400, s1;
	[dreg:$0x9] =	wrdreg s28  }
0x17: {  	v11 =	vmov s23;
	s23 =	simm.s32 $0x0;
	s16 =	sadd.s32 $0x10, s6;
	[dreg:$0xe] =	wrdreg s12  }
0x18: {  	s14 =	sadd.s32 $0x100, s30;
	s17 =	sadd.s32 $0x20, s6;
	[dreg:$0x10] =	wrdreg s16  }
0x19: {  	s18 =	sadd.s32 $0x30, s6;
	s19 =	sadd.s32 $0x40, s6;
	[dreg:$0x11] =	wrdreg s17  }
0x1a: {  	s20 =	sadd.s32 $0x50, s6;
	s21 =	sadd.s32 $0x60, s6;
	[dreg:$0x12] =	wrdreg s18  }
0x1b: {  	s22 =	sadd.s32 $0x70, s6;
	s24 =	sadd.s32 $0x90, s6;
	[dreg:$0x13] =	wrdreg s19  }
0x1c: {  	s29 =	sadd.s32 $0xD0, s6;
	s31 =	sadd.s32 $0xE0, s6;
	[dreg:$0x14] =	wrdreg s20  }
0x1d: {  	s1 =	sadd.s32 $0x110, s6;
	s11 =	sadd.s32 $0x130, s6;
	[dreg:$0x15] =	wrdreg s21  }
0x1e: {  	s7 =	sadd.s32 $0x190, s6;
	s8 =	sadd.s32 $0x1A0, s6;
	[dreg:$0x16] =	wrdreg s22  }
0x1f: {  	s9 =	sadd.s32 $0x1B0, s6;
	s0 =	sand.u32 $0x3FFFFC00, s26;
	[dreg:$0x17] =	wrdreg s24  }
0x20: {  	s25 =	sadd.s32 $0xA0, s6;
	s26 =	sadd.s32 $0xB0, s6;
	s28 =	sadd.s32 $0xC0, s6  }
0x21: {  	[dreg:$0x1b] =	wrdreg s29;
	s12 =	sadd.s32 $0x140, s6;
	s16 =	sadd.s32 $0x170, s6  }
0x22: {  	v1 =	vlaneseq.u32;
	s17 =	sadd.s32 $0x1D0, s6;
	s18 =	sadd.s32 $0x1E0, s6;
	s19 =	sadd.s32 $0x1F0, s6  }
0x23: {  	v0 =	vshrl.u32 v1, $0x3;
	s20 =	simm.s32 $0x400;
	s21 =	simm.s32 $0x80;
	[dreg:$0x18] =	wrdreg s25  }
.Ltmp0:
0x24: {  	v12 =	vand.u32 $0x7, v1;
	v13 =	vmul.u32 $0x8, v0;
	s22 =	simm.s32 $0x2;
	[dreg:$0x19] =	wrdreg s26;
	(pc) =	sbr.rel .LBB2_1-.Ltmp0, $4  }
0x25: {  	[tilespmem:$0x1FFD0] =	vst v12;
	s0 =	sadd.s32 s0, s2;
	[dreg:$0x1a] =	wrdreg s28;
	s2 =	sadd.s32 $0x120, s6  }
0x26: {  	v14 =	vor.u32 $0x8, v1;
	[tilespmem:$0x1FFE0] =	vst v13;
	[dreg:$0xb] =	wrdreg s0;
	s0 =	sadd.s32 s10, s13;
	s13 =	smax.u32 s3, $0x1  }
0x27: {  	[tilespmem:$0x1FFF0] =	vst v14;
	s3 =	sadd.s32 $0xF0, s6;
	s10 =	sadd.s32 $0x1C0, s6;
	[dreg:$0xc] =	wrdreg s0  }
0x28: {  	v2 =	vimm.s32 $0x0;
	vm0 =	vmmov $0xffff;
	[tilespmem:$0x1FFC0] =	vst v11;
	[dreg:$0xf] =	wrdreg s13;
	s0 =	sadd.s32 $0x150, s6;
	s13 =	sadd.s32 $0x160, s6  }
.LBB2_16:
0x29: {  	[bflag:$0x0] =	sbarrier.arrive $0xFFFF  }
.LBB2_18:
0x2a: {  	s24 =	rddreg [dreg:$0xd];
	s25 =	simm.s32 $0x2500  }
0x2b: {  	[tilespmem:s25], [sflag:$0x2] =	stream.linear.gather [spmem:s24], $0x10, $0x38;
	[tilespmem:$0x59C8] =	vst v63  }
0x2c: {  	_ =	swait.ge [sflag:s22], $0x10  }
0x2d: {  	[sflag:s22] =	ssyncset.done $0x0  }
0x2e: {  	[sflag:s22] =	ssyncadd.s32 $0xFFFFFFF0  }
0x2f: {  	v0 =	vld [tilespmem:$0x2500];
	_ =	sdelay $0x4  }
0x30: {  	v1 =	vadd.s32 v11, v0  }
0x31: {  	v1 =	vshrl.u32 v1, $0x3  }
0x32: {  	v1 =	vmul.u32 $0x30, v1  }
0x33: {  	v0 =	vand.u32 $0x7, v0  }
0x34: {  	v0 =	vor.u32 v0, v1  }
0x35: {  	v1 =	vperm.xlane v0, v12;
	_ =	sdelay $0x1  }
0x36: {  	v1 =	vadd.s32 v13, v1;
	_ =	sdelay $0x3  }
0x37: {  	s25 =	simm.s32 $0x2580;
	v0 =	vperm.xlane v0, v14  }
0x38: {  	[tilespmem:s25], [sflag:$0x1] =	stream.indirect_vreg.gather [hbm4b:s30+s4], $0x80, v1, vm0, $0xb8;
	[tilespmem:$0x59C8] =	vst v63  }
0x39: {  	s26 =	simm.s32 $0x2D80;
	v0 =	vadd.s32 v13, v0  }
0x3a: {  	[tilespmem:s26], [sflag:$0x1] =	stream.indirect_vreg.gather [hbm4b:s14+s4], $0x80, v1, vm0, $0xb8;
	[tilespmem:$0x59C8] =	vst v63  }
0x3b: {  	s28 =	simm.s32 $0x3580  }
0x3c: {  	[tilespmem:s28], [sflag:$0x1] =	stream.indirect_vreg.gather [hbm4b:s15+s4], $0x80, v1, vm0, $0xb8;
	[tilespmem:$0x59C8] =	vst v63  }
0x3d: {  	s29 =	simm.s32 $0x3D80  }
0x3e: {  	[tilespmem:s29], [sflag:$0x1] =	stream.indirect_vreg.gather [hbm4b:s30+s4], $0x80, v0, vm0, $0xb8;
	[tilespmem:$0x59C8] =	vst v63  }
0x3f: {  	s26 =	simm.s32 $0x4580  }
0x40: {  	[tilespmem:s26], [sflag:$0x1] =	stream.indirect_vreg.gather [hbm4b:s14+s4], $0x80, v0, vm0, $0xb8;
	[tilespmem:$0x59C8] =	vst v63  }
0x41: {  	s28 =	simm.s32 $0x4D80  }
0x42: {  	[tilespmem:s28], [sflag:$0x1] =	stream.indirect_vreg.gather [hbm4b:s15+s4], $0x80, v0, vm0, $0xb8;
	[tilespmem:$0x59C8] =	vst v63  }
0x43: {  	_ =	swait.ge [sflag:s5], $0x3000  }
0x44: {  	[sflag:s5] =	ssyncset.done $0x0  }
0x45: {  	s29 =	rddreg [dreg:$0xe];
	[sflag:s5] =	ssyncadd.s32 $0xFFFFD000  }
0x46: {  	[hbm4b:s29+s4] =	stream.linear.scatter [tilespmem:s25], [sflag:$0x2], $0x3000, $0x38;
	[tilespmem:$0x59C8] =	vst v63  }
0x47: {  	_ =	swait.ge [sflag:s22], $0x3000  }
0x48: {  	[sflag:s22] =	ssyncset.done $0x0  }
0x49: {  	[sflag:s22] =	ssyncadd.s32 $0xFFFFD000  }
.LBB2_19:
0x4a: {  	s23 =	sadd.s32 $0x1, s23;
	s24 =	rddreg [dreg:$0xf]  }
0x4b: {  	p3 =	sne.s32 s23, s24  }
.Ltmp1:
0x4c: {  	_ = 	snop;
	(pc) =	sbr.rel @!p3 .LBB2_20-.Ltmp1, $1  }
0x4d: {  	_ =	sdelay $0x3  }
.LBB2_1:
0x4e: {  	[tilespmem:s4], [sflag:$0x1] =	stream.linear.gather [hbm4b:s6+s4], $0x80, $0x38;
	[tilespmem:$0x59C8] =	vst v63  }
0x4f: {  	s24 =	rddreg [dreg:$0x10];
	s25 =	simm.s32 $0x200  }
0x50: {  	[tilespmem:s25], [sflag:$0x1] =	stream.linear.gather [hbm4b:s24+s4], $0x80, $0x38;
	[tilespmem:$0x59C8] =	vst v63  }
0x51: {  	s25 =	rddreg [dreg:$0x11]  }
0x52: {  	[tilespmem:s20], [sflag:$0x1] =	stream.linear.gather [hbm4b:s25+s4], $0x80, $0x38;
	[tilespmem:$0x59C8] =	vst v63  }
0x53: {  	s26 =	rddreg [dreg:$0x12];
	s29 =	simm.s32 $0x600  }
0x54: {  	[tilespmem:s29], [sflag:$0x1] =	stream.linear.gather [hbm4b:s26+s4], $0x80, $0x38;
	[tilespmem:$0x59C8] =	vst v63  }
0x55: {  	s26 =	rddreg [dreg:$0x13];
	s29 =	simm.s32 $0x800  }
0x56: {  	[tilespmem:s29], [sflag:$0x1] =	stream.linear.gather [hbm4b:s26+s4], $0x80, $0x38;
	[tilespmem:$0x59C8] =	vst v63  }
0x57: {  	s26 =	rddreg [dreg:$0x14];
	s29 =	simm.s32 $0xA00  }
0x58: {  	[tilespmem:s29], [sflag:$0x1] =	stream.linear.gather [hbm4b:s26+s4], $0x80, $0x38;
	[tilespmem:$0x59C8] =	vst v63  }
0x59: {  	s26 =	rddreg [dreg:$0x15];
	s29 =	simm.s32 $0xC00  }
0x5a: {  	[tilespmem:s29], [sflag:$0x1] =	stream.linear.gather [hbm4b:s26+s4], $0x80, $0x38;
	[tilespmem:$0x59C8] =	vst v63  }
0x5b: {  	s26 =	rddreg [dreg:$0x16];
	s29 =	simm.s32 $0xE00  }
0x5c: {  	[tilespmem:s29], [sflag:$0x1] =	stream.linear.gather [hbm4b:s26+s4], $0x80, $0x38;
	[tilespmem:$0x59C8] =	vst v63  }
0x5d: {  	s25 =	rddreg [dreg:$0x7]  }
0x5e: {  	[tilespmem:s21], [sflag:$0x1] =	stream.linear.gather [hbm4b:s25+s4], $0x80, $0x38;
	[tilespmem:$0x59C8] =	vst v63  }
0x5f: {  	s26 =	rddreg [dreg:$0x17];
	s29 =	simm.s32 $0x280  }
0x60: {  	[tilespmem:s29], [sflag:$0x1] =	stream.linear.gather [hbm4b:s26+s4], $0x80, $0x38;
	[tilespmem:$0x59C8] =	vst v63  }
0x61: {  	s26 =	rddreg [dreg:$0x18];
	s29 =	simm.s32 $0x480  }
0x62: {  	[tilespmem:s29], [sflag:$0x1] =	stream.linear.gather [hbm4b:s26+s4], $0x80, $0x38;
	[tilespmem:$0x59C8] =	vst v63  }
0x63: {  	s26 =	rddreg [dreg:$0x19];
	s29 =	simm.s32 $0x680  }
0x64: {  	[tilespmem:s29], [sflag:$0x1] =	stream.linear.gather [hbm4b:s26+s4], $0x80, $0x38;
	[tilespmem:$0x59C8] =	vst v63  }
0x65: {  	s26 =	rddreg [dreg:$0x1a];
	s29 =	simm.s32 $0x880  }
0x66: {  	[tilespmem:s29], [sflag:$0x1] =	stream.linear.gather [hbm4b:s26+s4], $0x80, $0x38;
	[tilespmem:$0x59C8] =	vst v63  }
0x67: {  	s25 =	rddreg [dreg:$0x1b];
	s26 =	simm.s32 $0xA80  }
0x68: {  	[tilespmem:s26], [sflag:$0x1] =	stream.linear.gather [hbm4b:s25+s4], $0x80, $0x38;
	[tilespmem:$0x59C8] =	vst v63  }
0x69: {  	s29 =	simm.s32 $0xC80  }
0x6a: {  	[tilespmem:s29], [sflag:$0x1] =	stream.linear.gather [hbm4b:s31+s4], $0x80, $0x38;
	[tilespmem:$0x59C8] =	vst v63  }
0x6b: {  	s25 =	simm.s32 $0xE80  }
0x6c: {  	[tilespmem:s25], [sflag:$0x1] =	stream.linear.gather [hbm4b:s3+s4], $0x80, $0x38;
	[tilespmem:$0x59C8] =	vst v63  }
0x6d: {  	s26 =	rddreg [dreg:$0x8];
	s29 =	simm.s32 $0x100  }
0x6e: {  	[tilespmem:s29], [sflag:$0x1] =	stream.linear.gather [hbm4b:s26+s4], $0x80, $0x38;
	[tilespmem:$0x59C8] =	vst v63  }
0x6f: {  	s25 =	simm.s32 $0x300  }
0x70: {  	[tilespmem:s25], [sflag:$0x1] =	stream.linear.gather [hbm4b:s1+s4], $0x80, $0x38;
	[tilespmem:$0x59C8] =	vst v63  }
0x71: {  	s26 =	simm.s32 $0x500  }
0x72: {  	[tilespmem:s26], [sflag:$0x1] =	stream.linear.gather [hbm4b:s2+s4], $0x80, $0x38;
	[tilespmem:$0x59C8] =	vst v63  }
0x73: {  	s29 =	simm.s32 $0x700  }
0x74: {  	[tilespmem:s29], [sflag:$0x1] =	stream.linear.gather [hbm4b:s11+s4], $0x80, $0x38;
	[tilespmem:$0x59C8] =	vst v63  }
0x75: {  	s25 =	simm.s32 $0x900  }
0x76: {  	[tilespmem:s25], [sflag:$0x1] =	stream.linear.gather [hbm4b:s12+s4], $0x80, $0x38;
	[tilespmem:$0x59C8] =	vst v63  }
0x77: {  	s26 =	simm.s32 $0xB00  }
0x78: {  	[tilespmem:s26], [sflag:$0x1] =	stream.linear.gather [hbm4b:s0+s4], $0x80, $0x38;
	[tilespmem:$0x59C8] =	vst v63  }
0x79: {  	s29 =	simm.s32 $0xD00  }
0x7a: {  	[tilespmem:s29], [sflag:$0x1] =	stream.linear.gather [hbm4b:s13+s4], $0x80, $0x38;
	[tilespmem:$0x59C8] =	vst v63  }
0x7b: {  	s25 =	simm.s32 $0xF00  }
0x7c: {  	[tilespmem:s25], [sflag:$0x1] =	stream.linear.gather [hbm4b:s16+s4], $0x80, $0x38;
	[tilespmem:$0x59C8] =	vst v63  }
0x7d: {  	s26 =	rddreg [dreg:$0x9];
	s29 =	simm.s32 $0x180  }
0x7e: {  	[tilespmem:s29], [sflag:$0x1] =	stream.linear.gather [hbm4b:s26+s4], $0x80, $0x38;
	[tilespmem:$0x59C8] =	vst v63  }
0x7f: {  	s25 =	simm.s32 $0x380  }
0x80: {  	[tilespmem:s25], [sflag:$0x1] =	stream.linear.gather [hbm4b:s7+s4], $0x80, $0x38;
	[tilespmem:$0x59C8] =	vst v63  }
0x81: {  	s26 =	simm.s32 $0x580  }
0x82: {  	[tilespmem:s26], [sflag:$0x1] =	stream.linear.gather [hbm4b:s8+s4], $0x80, $0x38;
	[tilespmem:$0x59C8] =	vst v63  }
0x83: {  	s29 =	simm.s32 $0x780  }
0x84: {  	[tilespmem:s29], [sflag:$0x1] =	stream.linear.gather [hbm4b:s9+s4], $0x80, $0x38;
	[tilespmem:$0x59C8] =	vst v63  }
0x85: {  	s25 =	simm.s32 $0x980  }
0x86: {  	[tilespmem:s25], [sflag:$0x1] =	stream.linear.gather [hbm4b:s10+s4], $0x80, $0x38;
	[tilespmem:$0x59C8] =	vst v63  }
0x87: {  	s26 =	simm.s32 $0xB80  }
0x88: {  	[tilespmem:s26], [sflag:$0x1] =	stream.linear.gather [hbm4b:s17+s4], $0x80, $0x38;
	[tilespmem:$0x59C8] =	vst v63  }
0x89: {  	s29 =	simm.s32 $0xD80  }
0x8a: {  	[tilespmem:s29], [sflag:$0x1] =	stream.linear.gather [hbm4b:s18+s4], $0x80, $0x38;
	[tilespmem:$0x59C8] =	vst v63  }
0x8b: {  	s25 =	simm.s32 $0xF80  }
0x8c: {  	[tilespmem:s25], [sflag:$0x1] =	stream.linear.gather [hbm4b:s19+s4], $0x80, $0x38;
	[tilespmem:$0x59C8] =	vst v63  }
0x8d: {  	_ =	swait.ge [sflag:s5], $0x400  }
0x8e: {  	[sflag:s5] =	ssyncset.done $0x0  }
0x8f: {  	[sflag:s5] =	ssyncadd.s32 $0xFFFFFC00  }
0x90: {  	_ =	swait.ge [sflag:s5], $0x400  }
0x91: {  	[sflag:s5] =	ssyncset.done $0x0  }
0x92: {  	[sflag:s5] =	ssyncadd.s32 $0xFFFFFC00  }
0x93: {  	_ =	swait.ge [sflag:s5], $0x400  }
0x94: {  	[sflag:s5] =	ssyncset.done $0x0  }
0x95: {  	[sflag:s5] =	ssyncadd.s32 $0xFFFFFC00  }
0x96: {  	s26 =	sand.u32 $0x70, s4;
	s29 =	sand.u32 $0xE00, s4;
	_ =	swait.ge [sflag:s5], $0x400  }
0x97: {  	s24 =	simm.s32 $0x0;
	s28 =	sor.u32 s26, s29;
	[sflag:s5] =	ssyncset.done $0x0  }
0x98: {  	s26 =	simm.s32 $0x0;
	s25 =	simm.s32 $0x10;
	[sflag:s5] =	ssyncadd.s32 $0xFFFFFC00  }
.LBB2_2:
0x99: {  	p3 =	sne.s32 s25, $0x3F0;
	v0 =	vld [tilespmem:s28+$0x80]  }
0x9a: {  	v1 =	vld [tilespmem:s28+$0x0];
	_ =	sdelay $0x1  }
0x9b: {  	v3 =	vld [tilespmem:s28+$0x100];
	_ =	sdelay $0x1  }
0x9c: {  	v4 =	vld [tilespmem:s28+$0x180]  }
0x9d: {  	v0 =	vadd.f32 v0, v1;
	_ =	sdelay $0x1  }
.Ltmp2:
0x9e: {  	v0 =	vadd.f32 v3, v0;
	(pc) =	sbr.rel @p3 .LBB2_2-.Ltmp2, $4  }
0x9f: {  	_ = 	snop  }
0xa0: {  	s26 =	sadd.s32 $0x40, s26;
	v0 =	vadd.f32 v4, v0  }
0xa1: {  	s24 =	sshra.s32 s24, $0x2;
	s29 =	sand.u32 $0xE00, s26;
	s28 =	sand.u32 $0x70, s25  }
0xa2: {  	s25 =	sadd.s32 $0x10, s25;
	s28 =	sor.u32 s28, s29;
	[tilespmem:s24+$0x1000] =	vst v0;
	s24 =	smov.u32 s26  }
0xa3: {  	v0 =	vld [tilespmem:s28+$0x80]  }
0xa4: {  	v1 =	vld [tilespmem:s28+$0x0];
	_ =	sdelay $0x1  }
0xa5: {  	v3 =	vld [tilespmem:s28+$0x100];
	_ =	sdelay $0x1  }
0xa6: {  	v4 =	vld [tilespmem:s28+$0x180]  }
0xa7: {  	v0 =	vadd.f32 v0, v1;
	_ =	sdelay $0x1  }
0xa8: {  	v0 =	vadd.f32 v3, v0;
	_ =	sdelay $0x1  }
0xa9: {  	v0 =	vadd.f32 v4, v0  }
0xaa: {  	s24 =	sshra.s32 s24, $0x2  }
0xab: {  	s29 =	rddreg [dreg:$0xa];
	s25 =	simm.s32 $0x1000;
	[tilespmem:s24+$0x1000] =	vst v0  }
0xac: {  	[spmem:s29] =	stream.strided.scatter [tilespmem:s25], [sflag:$0x2], $0x400, s20, s21, $0x38;
	[tilespmem:$0x59C8] =	vst v63  }
.Ltmp3:
0xad: {  	_ =	swait.ge [sflag:s22], $0x400;
	(pc) =	sbr.rel @p1 .LBB2_17-.Ltmp3, $3  }
0xae: {  	[sflag:s22] =	ssyncset.done $0x0  }
0xaf: {  	[sflag:s22] =	ssyncadd.s32 $0xFFFFFC00  }
0xb0: {  	[bflag:$0x0] =	sbarrier.arrive $0xFFFF;
	_ =	sdelay $0x1  }
0xb1: {  	s24 =	rddreg [dreg:$0xb];
	s25 =	simm.s32 $0x2000;
	s26 =	simm.s32 $0x1400  }
0xb2: {  	[tilespmem:s26], [sflag:$0x2] =	stream.strided.gather [spmem:s24], $0x800, s25, s20, $0x38;
	[tilespmem:$0x59C8] =	vst v63  }
0xb3: {  	_ =	swait.ge [sflag:s22], $0x800  }
0xb4: {  	[sflag:s22] =	ssyncset.done $0x0  }
0xb5: {  	s25 =	simm.s32 $0x0;
	[sflag:s22] =	ssyncadd.s32 $0xFFFFF800  }
0xb6: {  	v0 =	vld [tilespmem:s25+$0x1400]  }
0xb7: {  	v1 =	vld [tilespmem:s25+$0x1480];
	_ =	sdelay $0x1  }
0xb8: {  	v3 =	vld [tilespmem:s25+$0x1500];
	_ =	sdelay $0x1  }
0xb9: {  	v4 =	vld [tilespmem:s25+$0x1580]  }
0xba: {  	v0 =	vadd.f32 v1, v0  }
0xbb: {  	v1 =	vld [tilespmem:s25+$0x1600]  }
0xbc: {  	v0 =	vadd.f32 v3, v0  }
0xbd: {  	v3 =	vld [tilespmem:s25+$0x1680]  }
0xbe: {  	v0 =	vadd.f32 v4, v0  }
0xbf: {  	v4 =	vld [tilespmem:s25+$0x1700]  }
0xc0: {  	v0 =	vadd.f32 v1, v0  }
0xc1: {  	v1 =	vld [tilespmem:s25+$0x1780]  }
0xc2: {  	s24 =	simm.s32 $0x10;
	v5 =	vld [tilespmem:s25+$0x1800];
	v0 =	vadd.f32 v3, v0  }
0xc3: {  	v6 =	vld [tilespmem:s24+$0x1400]  }
0xc4: {  	v3 =	vld [tilespmem:s25+$0x1880];
	v0 =	vadd.f32 v4, v0  }
0xc5: {  	v4 =	vld [tilespmem:s24+$0x1480]  }
0xc6: {  	v7 =	vld [tilespmem:s24+$0x1500];
	v0 =	vadd.f32 v1, v0  }
0xc7: {  	v1 =	vld [tilespmem:s25+$0x1900]  }
0xc8: {  	v8 =	vld [tilespmem:s24+$0x1580];
	v0 =	vadd.f32 v5, v0  }
0xc9: {  	v5 =	vld [tilespmem:s25+$0x1980]  }
0xca: {  	v4 =	vadd.f32 v4, v6;
	v6 =	vld [tilespmem:s24+$0x1600];
	v0 =	vadd.f32 v3, v0  }
0xcb: {  	v3 =	vld [tilespmem:s25+$0x1A00]  }
0xcc: {  	v4 =	vadd.f32 v7, v4;
	v7 =	vld [tilespmem:s24+$0x1680];
	v0 =	vadd.f32 v1, v0  }
0xcd: {  	v1 =	vld [tilespmem:s25+$0x1A80]  }
0xce: {  	v9 =	vld [tilespmem:s24+$0x1700];
	v4 =	vadd.f32 v8, v4;
	v0 =	vadd.f32 v5, v0  }
0xcf: {  	v8 =	vld [tilespmem:s25+$0x1B00]  }
0xd0: {  	v5 =	vadd.f32 v6, v4;
	v4 =	vld [tilespmem:s24+$0x1780];
	v6 =	vadd.f32 v3, v0  }
0xd1: {  	v3 =	vld [tilespmem:s25+$0x1B80]  }
0xd2: {  	v0 =	vld [tilespmem:s24+$0x1880];
	v7 =	vadd.f32 v7, v5;
	v10 =	vadd.f32 v1, v6  }
0xd3: {  	s26 =	simm.s32 $0x20;
	v5 =	vld [tilespmem:s24+$0x1800]  }
0xd4: {  	s28 =	simm.s32 $0xC0;
	v1 =	vld [tilespmem:s26+$0x1400];
	v6 =	vadd.f32 v9, v7;
	v7 =	vadd.f32 v8, v10  }
.LBB2_5:
0xd5: {  	p3 =	sne.s32 s28, $0x1C0;
	v8 =	vld [tilespmem:s26+$0x1480]  }
0xd6: {  	v4 =	vadd.f32 v4, v6;
	v6 =	vld [tilespmem:s24+$0x1900];
	v3 =	vadd.f32 v3, v7  }
0xd7: {  	v7 =	vld [tilespmem:s26+$0x1500]  }
0xd8: {  	v4 =	vadd.f32 v5, v4;
	v5 =	vld [tilespmem:s24+$0x1980];
	[tilespmem:s25+$0x1C00] =	vst v3;
	s25 =	smov.u32 s24;
	s24 =	smov.u32 s26  }
0xd9: {  	v3 =	vld [tilespmem:s24+$0x1580]  }
0xda: {  	v1 =	vadd.f32 v8, v1;
	v0 =	vadd.f32 v0, v4;
	v4 =	vld [tilespmem:s25+$0x1A00]  }
0xdb: {  	v8 =	vld [tilespmem:s24+$0x1600]  }
0xdc: {  	v1 =	vadd.f32 v7, v1;
	v0 =	vadd.f32 v6, v0;
	v6 =	vld [tilespmem:s25+$0x1A80]  }
0xdd: {  	v7 =	vld [tilespmem:s24+$0x1680]  }
0xde: {  	v1 =	vadd.f32 v3, v1;
	v0 =	vadd.f32 v5, v0;
	v9 =	vld [tilespmem:s25+$0x1B00]  }
0xdf: {  	v10 =	vld [tilespmem:s24+$0x1700]  }
.Ltmp4:
0xe0: {  	v1 =	vadd.f32 v8, v1;
	v5 =	vadd.f32 v4, v0;
	v3 =	vld [tilespmem:s25+$0x1B80];
	(pc) =	sbr.rel @p3 .LBB2_5-.Ltmp4, $4  }
0xe1: {  	v4 =	vld [tilespmem:s24+$0x1780]  }
0xe2: {  	v7 =	vadd.f32 v7, v1;
	v0 =	vld [tilespmem:s24+$0x1880];
	v8 =	vadd.f32 v6, v5  }
0xe3: {  	s26 =	sshra.s32 s28, $0x2;
	v5 =	vld [tilespmem:s24+$0x1800]  }
0xe4: {  	s28 =	sadd.s32 $0x40, s28;
	v1 =	vld [tilespmem:s26+$0x1400];
	v6 =	vadd.f32 v10, v7;
	v7 =	vadd.f32 v9, v8  }
0xe5: {  	v8 =	vld [tilespmem:s26+$0x1480]  }
0xe6: {  	v9 =	vld [tilespmem:s24+$0x1900];
	v3 =	vadd.f32 v3, v7  }
0xe7: {  	v53 =	vld [tilespmem:s26+$0x1500]  }
0xe8: {  	v10 =	vld [tilespmem:s24+$0x1980];
	v4 =	vadd.f32 v4, v6;
	[tilespmem:s25+$0x1C00] =	vst v3  }
0xe9: {  	v3 =	vld [tilespmem:s26+$0x1580]  }
0xea: {  	v4 =	vadd.f32 v5, v4;
	v1 =	vadd.f32 v8, v1  }
0xeb: {  	v54 =	vld [tilespmem:s26+$0x1600]  }
0xec: {  	v55 =	vld [tilespmem:s24+$0x1A00];
	v0 =	vadd.f32 v0, v4;
	v1 =	vadd.f32 v53, v1  }
0xed: {  	v56 =	vld [tilespmem:s26+$0x1680]  }
0xee: {  	v57 =	vld [tilespmem:s24+$0x1A80];
	v0 =	vadd.f32 v9, v0;
	v1 =	vadd.f32 v3, v1  }
0xef: {  	v3 =	vld [tilespmem:s26+$0x1700]  }
0xf0: {  	v58 =	vld [tilespmem:s26+$0x1780];
	v0 =	vadd.f32 v10, v0;
	v1 =	vadd.f32 v54, v1  }
0xf1: {  	v8 =	vld [tilespmem:s24+$0x1B00]  }
0xf2: {  	v59 =	vld [tilespmem:s24+$0x1B80];
	v0 =	vadd.f32 v55, v0;
	v1 =	vadd.f32 v56, v1  }
0xf3: {  	v60 =	vld [tilespmem:s26+$0x1800]  }
0xf4: {  	v0 =	vadd.f32 v57, v0;
	v1 =	vadd.f32 v3, v1  }
0xf5: {  	v3 =	vld [tilespmem:s26+$0x1880]  }
0xf6: {  	v0 =	vadd.f32 v8, v0;
	v1 =	vadd.f32 v58, v1  }
0xf7: {  	v61 =	vld [tilespmem:s26+$0x1900]  }
0xf8: {  	v0 =	vadd.f32 v59, v0;
	v1 =	vadd.f32 v60, v1  }
0xf9: {  	v62 =	vld [tilespmem:s26+$0x1980]  }
0xfa: {  	[tilespmem:s24+$0x1C00] =	vst v0;
	v0 =	vadd.f32 v3, v1  }
0xfb: {  	v1 =	vld [tilespmem:s26+$0x1A00]  }
0xfc: {  	v0 =	vadd.f32 v61, v0  }
0xfd: {  	v3 =	vld [tilespmem:s26+$0x1A80]  }
0xfe: {  	v0 =	vadd.f32 v62, v0  }
0xff: {  	v63 =	vld [tilespmem:s26+$0x1B00]  }
0x100: {  	v0 =	vadd.f32 v1, v0  }
0x101: {  	v1 =	vld [tilespmem:s26+$0x1B80]  }
0x102: {  	v0 =	vadd.f32 v3, v0;
	_ =	sdelay $0x1  }
0x103: {  	v0 =	vadd.f32 v63, v0;
	_ =	sdelay $0x1  }
0x104: {  	v0 =	vadd.f32 v1, v0;
	_ =	sdelay $0x1  }
0x105: {  	s28 =	rddreg [dreg:$0xc];
	s29 =	simm.s32 $0x1C00;
	[tilespmem:s26+$0x1C00] =	vst v0  }
0x106: {  	[spmem:s28] =	stream.linear.scatter [tilespmem:s29], [sflag:$0x2], $0x80, $0x38;
	[tilespmem:$0x59C8] =	vst v63  }
.Ltmp5:
0x107: {  	_ =	swait.ge [sflag:s22], $0x80;
	(pc) =	sbr.rel @p0 .LBB2_16-.Ltmp5, $3  }
0x108: {  	[sflag:s22] =	ssyncset.done $0x0  }
0x109: {  	[sflag:s22] =	ssyncadd.s32 $0xFFFFFF80  }
0x10a: {  	[bflag:$0x0] =	sbarrier.arrive $0xFFFF;
	_ =	sdelay $0x1  }
0x10b: {  	s24 =	rddreg [dreg:$0x4];
	s25 =	simm.s32 $0x1C80  }
0x10c: {  	[tilespmem:s25], [sflag:$0x2] =	stream.linear.gather [spmem:s24], $0x400, $0x38;
	[tilespmem:$0x59C8] =	vst v63  }
0x10d: {  	_ =	swait.ge [sflag:s22], $0x400  }
0x10e: {  	[sflag:s22] =	ssyncset.done $0x0  }
0x10f: {  	s24 =	simm.s32 $0x0;
	[sflag:s22] =	ssyncadd.s32 $0xFFFFFC00  }
0x110: {  	v0 =	vld [tilespmem:s24+$0x1C80];
	_ =	sdelay $0x2  }
0x111: {  	v7 =	vimm.s32 $0x0;
	s25 =	simm.s32 $0x40  }
.LBB2_8:
0x112: {  	p3 =	sne.s32 s25, $0xFC0  }
.Ltmp6:
0x113: {  	s26 =	sshra.s32 s25, $0x2;
	s25 =	sadd.s32 $0x40, s25;
	v1 =	vxor.u32 $0x7FFFFFFF, v0;
	vm1 =	vlt.s32 v0, $0x0;
	(pc) =	sbr.rel @p3 .LBB2_8-.Ltmp6, $4  }
0x114: {  	v1 =	vsel vm1, v1, v0;
	v0 =	vld [tilespmem:s26+$0x1C80]  }
0x115: {  	[tilespmem:s24+$0x2080] =	vst v1;
	vm1 =	vgt.s32 v1, $0xFFFFFFFF;
	s24 =	smov.u32 s26  }
0x116: {  	v1 =	vsel vm1, $0x1, v2  }
0x117: {  	v7 =	vadd.s32 v1, v7  }
0x118: {  	_ = 	snop  }
0x119: {  	v1 =	vxor.u32 $0x7FFFFFFF, v0;
	vm1 =	vlt.s32 v0, $0x0  }
0x11a: {  	v8 =	vsel vm1, v1, v0  }
0x11b: {  	[tilespmem:s24+$0x2080] =	vst v8  }
0x11c: {  	v1 =	vld [tilespmem:$0x2080]  }
0x11d: {  	v6 =	vld [tilespmem:$0x2090]  }
0x11e: {  	v4 =	vld [tilespmem:$0x20A0]  }
0x11f: {  	v5 =	vld [tilespmem:$0x20B0]  }
0x120: {  	v3 =	vld [tilespmem:$0x20C0]  }
0x121: {  	v0 =	vld [tilespmem:$0x20D0]  }
0x122: {  	v63 =	vld [tilespmem:$0x20E0]  }
0x123: {  	v62 =	vld [tilespmem:$0x20F0]  }
0x124: {  	v61 =	vld [tilespmem:$0x2100]  }
0x125: {  	v60 =	vld [tilespmem:$0x2110]  }
0x126: {  	v59 =	vld [tilespmem:$0x2120]  }
0x127: {  	v58 =	vld [tilespmem:$0x2130]  }
0x128: {  	v57 =	vld [tilespmem:$0x2140]  }
0x129: {  	v56 =	vld [tilespmem:$0x2150]  }
0x12a: {  	v55 =	vld [tilespmem:$0x2160]  }
0x12b: {  	v54 =	vld [tilespmem:$0x2170]  }
0x12c: {  	v53 =	vld [tilespmem:$0x2180]  }
0x12d: {  	v52 =	vld [tilespmem:$0x2190]  }
0x12e: {  	v51 =	vld [tilespmem:$0x21A0]  }
0x12f: {  	v50 =	vld [tilespmem:$0x21B0]  }
0x130: {  	v49 =	vld [tilespmem:$0x21C0]  }
0x131: {  	v48 =	vld [tilespmem:$0x21D0]  }
0x132: {  	v47 =	vld [tilespmem:$0x21E0]  }
0x133: {  	v46 =	vld [tilespmem:$0x21F0]  }
0x134: {  	v45 =	vld [tilespmem:$0x2200]  }
0x135: {  	v44 =	vld [tilespmem:$0x2210]  }
0x136: {  	v43 =	vld [tilespmem:$0x2220]  }
0x137: {  	v42 =	vld [tilespmem:$0x2230]  }
0x138: {  	v41 =	vld [tilespmem:$0x2240]  }
0x139: {  	v40 =	vld [tilespmem:$0x2250]  }
0x13a: {  	v39 =	vld [tilespmem:$0x2260]  }
0x13b: {  	v38 =	vld [tilespmem:$0x2270]  }
0x13c: {  	v37 =	vld [tilespmem:$0x2280]  }
0x13d: {  	v36 =	vld [tilespmem:$0x2290]  }
0x13e: {  	v35 =	vld [tilespmem:$0x22A0]  }
0x13f: {  	v34 =	vld [tilespmem:$0x22B0]  }
0x140: {  	vm1 =	vgt.s32 v8, $0xFFFFFFFF;
	v33 =	vld [tilespmem:$0x22C0]  }
0x141: {  	v8 =	vsel vm1, $0x1, v2;
	v32 =	vld [tilespmem:$0x22D0]  }
0x142: {  	v31 =	vld [tilespmem:$0x22E0];
	v7 =	vadd.s32 v8, v7  }
0x143: {  	v30 =	vld [tilespmem:$0x22F0];
	(xrf0) =	vadd.scan.msk.s32 $0xffff, v7  }
0x144: {  	v29 =	vld [tilespmem:$0x2300]  }
0x145: {  	v28 =	vld [tilespmem:$0x2310]  }
0x146: {  	v27 =	vld [tilespmem:$0x2320]  }
0x147: {  	v26 =	vld [tilespmem:$0x2330]  }
0x148: {  	v25 =	vld [tilespmem:$0x2340]  }
0x149: {  	v24 =	vld [tilespmem:$0x2350];
	v7, _, _ =	vpop (xrf0)  }
0x14a: {  	v23 =	vld [tilespmem:$0x2360];
	(v2sf) =	vpush v7, $0xF  }
0x14b: {  	v22 =	vld [tilespmem:$0x2370]  }
0x14c: {  	v21 =	vld [tilespmem:$0x2380]  }
0x14d: {  	v20 =	vld [tilespmem:$0x2390]  }
0x14e: {  	v10 =	vld [tilespmem:$0x23A0]  }
0x14f: {  	v18 =	vld [tilespmem:$0x23C0]  }
0x150: {  	v9 =	vld [tilespmem:$0x23D0]  }
0x151: {  	v11 =	vld [tilespmem:$0x23E0]  }
0x152: {  	v7 =	vld [tilespmem:$0x23B0]  }
0x153: {  	v16 =	vld [tilespmem:$0x23F0]  }
0x154: {  	v17 =	vld [tilespmem:$0x2450]  }
0x155: {  	v19 =	vld [tilespmem:$0x2440]  }
0x156: {  	v8 =	vld [tilespmem:$0x2460]  }
0x157: {  	[tilespmem:$0x1FFB0] =	vst v7;
	v7 =	vld [tilespmem:$0x2470]  }
0x158: {  	v12 =	vld [tilespmem:$0x2400]  }
0x159: {  	v15 =	vld [tilespmem:$0x2410];
	[tilespmem:$0x1FF70] =	vst v17;
	s30 =	spop (v2sf)  }
0x15a: {  	s24 =	simm.s32 $0x0;
	v14 =	vld [tilespmem:$0x2420];
	[tilespmem:$0x1FF80] =	vst v19;
	p3 =	sgt.s32 s30, $0x65  }
0x15b: {  	s25 =	simm.s32 $0x7FFFFFFF;
	v13 =	vld [tilespmem:$0x2430];
	[tilespmem:$0x1FF90] =	vst v8;
	s24 =	simm.s32 @!p3 $0x80000000  }
0x15c: {  	s26 =	simm.s32 $0x1E;
	v19 =	vld [tilespmem:$0x1FFB0];
	[tilespmem:$0x1FFA0] =	vst v7;
	s25 =	simm.s32 @!p3 $0xFFFFFFFF;
	s29 =	sxor.u32 $0xFFFFFFFF, s24  }
.LBB2_10:
0x15d: {  	s30 =	sadd.s32 s29, s25  }
0x15e: {  	s28 =	smov.u32 s25;
	s25 =	sshra.s32 s30, $0x1  }
0x15f: {  	s25 =	sadd.s32 s24, s25  }
0x160: {  	s29 =	sadd.s32 $0x1, s25  }
0x161: {  	vm1 =	vge.s32 v1, s29;
	vm2 =	vge.s32 v6, s29  }
0x162: {  	v7 =	vsel vm1, $0x1, v2;
	v8 =	vsel vm2, $0x1, v2;
	vm1 =	vge.s32 v4, s29  }
0x163: {  	v7 =	vadd.s32 v7, v8;
	v8 =	vsel vm1, $0x1, v2;
	vm1 =	vge.s32 v5, s29  }
0x164: {  	v7 =	vadd.s32 v8, v7;
	v8 =	vsel vm1, $0x1, v2;
	vm1 =	vge.s32 v3, s29  }
0x165: {  	v7 =	vadd.s32 v8, v7;
	v8 =	vsel vm1, $0x1, v2;
	vm1 =	vge.s32 v0, s29  }
0x166: {  	v7 =	vadd.s32 v8, v7;
	v8 =	vsel vm1, $0x1, v2;
	vm1 =	vge.s32 v63, s29  }
0x167: {  	v7 =	vadd.s32 v8, v7;
	v8 =	vsel vm1, $0x1, v2;
	vm1 =	vge.s32 v62, s29  }
0x168: {  	v7 =	vadd.s32 v8, v7;
	v8 =	vsel vm1, $0x1, v2;
	vm1 =	vge.s32 v61, s29  }
0x169: {  	v7 =	vadd.s32 v8, v7;
	v8 =	vsel vm1, $0x1, v2;
	vm1 =	vge.s32 v60, s29  }
0x16a: {  	v7 =	vadd.s32 v8, v7;
	v8 =	vsel vm1, $0x1, v2;
	vm1 =	vge.s32 v59, s29  }
0x16b: {  	v7 =	vadd.s32 v8, v7;
	v8 =	vsel vm1, $0x1, v2;
	vm1 =	vge.s32 v58, s29  }
0x16c: {  	v7 =	vadd.s32 v8, v7;
	v8 =	vsel vm1, $0x1, v2;
	vm1 =	vge.s32 v57, s29  }
0x16d: {  	v7 =	vadd.s32 v8, v7;
	v8 =	vsel vm1, $0x1, v2;
	vm1 =	vge.s32 v56, s29  }
0x16e: {  	v7 =	vadd.s32 v8, v7;
	v8 =	vsel vm1, $0x1, v2;
	vm1 =	vge.s32 v55, s29  }
0x16f: {  	v7 =	vadd.s32 v8, v7;
	v8 =	vsel vm1, $0x1, v2;
	vm1 =	vge.s32 v54, s29  }
0x170: {  	v7 =	vadd.s32 v8, v7;
	v8 =	vsel vm1, $0x1, v2;
	vm1 =	vge.s32 v53, s29  }
0x171: {  	v7 =	vadd.s32 v8, v7;
	v8 =	vsel vm1, $0x1, v2;
	vm1 =	vge.s32 v52, s29  }
0x172: {  	v7 =	vadd.s32 v8, v7;
	v8 =	vsel vm1, $0x1, v2;
	vm1 =	vge.s32 v51, s29  }
0x173: {  	v7 =	vadd.s32 v8, v7;
	v8 =	vsel vm1, $0x1, v2;
	vm1 =	vge.s32 v50, s29  }
0x174: {  	v7 =	vadd.s32 v8, v7;
	v8 =	vsel vm1, $0x1, v2;
	vm1 =	vge.s32 v49, s29  }
0x175: {  	v7 =	vadd.s32 v8, v7;
	v8 =	vsel vm1, $0x1, v2;
	vm1 =	vge.s32 v48, s29  }
0x176: {  	v7 =	vadd.s32 v8, v7;
	v8 =	vsel vm1, $0x1, v2;
	vm1 =	vge.s32 v47, s29  }
0x177: {  	v7 =	vadd.s32 v8, v7;
	v8 =	vsel vm1, $0x1, v2;
	vm1 =	vge.s32 v46, s29  }
0x178: {  	v7 =	vadd.s32 v8, v7;
	v8 =	vsel vm1, $0x1, v2;
	vm1 =	vge.s32 v45, s29  }
0x179: {  	v7 =	vadd.s32 v8, v7;
	v8 =	vsel vm1, $0x1, v2;
	vm1 =	vge.s32 v44, s29  }
0x17a: {  	v7 =	vadd.s32 v8, v7;
	v8 =	vsel vm1, $0x1, v2;
	vm1 =	vge.s32 v43, s29  }
0x17b: {  	v7 =	vadd.s32 v8, v7;
	v8 =	vsel vm1, $0x1, v2;
	vm1 =	vge.s32 v42, s29  }
0x17c: {  	v7 =	vadd.s32 v8, v7;
	v8 =	vsel vm1, $0x1, v2;
	vm1 =	vge.s32 v41, s29  }
0x17d: {  	v7 =	vadd.s32 v8, v7;
	v8 =	vsel vm1, $0x1, v2;
	vm1 =	vge.s32 v40, s29  }
0x17e: {  	v7 =	vadd.s32 v8, v7;
	v8 =	vsel vm1, $0x1, v2;
	vm1 =	vge.s32 v39, s29  }
0x17f: {  	v7 =	vadd.s32 v8, v7;
	v8 =	vsel vm1, $0x1, v2;
	vm1 =	vge.s32 v38, s29  }
0x180: {  	v7 =	vadd.s32 v8, v7;
	v8 =	vsel vm1, $0x1, v2;
	vm1 =	vge.s32 v37, s29  }
0x181: {  	v7 =	vadd.s32 v8, v7;
	v8 =	vsel vm1, $0x1, v2;
	vm1 =	vge.s32 v36, s29  }
0x182: {  	v7 =	vadd.s32 v8, v7;
	v8 =	vsel vm1, $0x1, v2;
	vm1 =	vge.s32 v35, s29  }
0x183: {  	v7 =	vadd.s32 v8, v7;
	v8 =	vsel vm1, $0x1, v2;
	vm1 =	vge.s32 v34, s29  }
0x184: {  	v7 =	vadd.s32 v8, v7;
	v8 =	vsel vm1, $0x1, v2;
	vm1 =	vge.s32 v33, s29  }
0x185: {  	v7 =	vadd.s32 v8, v7;
	v8 =	vsel vm1, $0x1, v2;
	vm1 =	vge.s32 v32, s29  }
0x186: {  	v7 =	vadd.s32 v8, v7;
	v8 =	vsel vm1, $0x1, v2;
	vm1 =	vge.s32 v31, s29  }
0x187: {  	v7 =	vadd.s32 v8, v7;
	v8 =	vsel vm1, $0x1, v2;
	vm1 =	vge.s32 v30, s29  }
0x188: {  	v7 =	vadd.s32 v8, v7;
	v8 =	vsel vm1, $0x1, v2;
	vm1 =	vge.s32 v29, s29  }
0x189: {  	v7 =	vadd.s32 v8, v7;
	v8 =	vsel vm1, $0x1, v2;
	vm1 =	vge.s32 v28, s29  }
0x18a: {  	v7 =	vadd.s32 v8, v7;
	v8 =	vsel vm1, $0x1, v2;
	vm1 =	vge.s32 v27, s29  }
0x18b: {  	v7 =	vadd.s32 v8, v7;
	v8 =	vsel vm1, $0x1, v2;
	vm1 =	vge.s32 v26, s29  }
0x18c: {  	v7 =	vadd.s32 v8, v7;
	v8 =	vsel vm1, $0x1, v2;
	vm1 =	vge.s32 v25, s29  }
0x18d: {  	v7 =	vadd.s32 v8, v7;
	v8 =	vsel vm1, $0x1, v2;
	vm1 =	vge.s32 v24, s29  }
0x18e: {  	v7 =	vadd.s32 v8, v7;
	v8 =	vsel vm1, $0x1, v2;
	vm1 =	vge.s32 v23, s29  }
0x18f: {  	v7 =	vadd.s32 v8, v7;
	v8 =	vsel vm1, $0x1, v2;
	vm1 =	vge.s32 v22, s29  }
0x190: {  	v7 =	vadd.s32 v8, v7;
	v8 =	vsel vm1, $0x1, v2;
	vm1 =	vge.s32 v21, s29  }
0x191: {  	v7 =	vadd.s32 v8, v7;
	v8 =	vsel vm1, $0x1, v2;
	vm1 =	vge.s32 v20, s29  }
0x192: {  	v7 =	vadd.s32 v8, v7;
	v8 =	vsel vm1, $0x1, v2;
	vm1 =	vge.s32 v10, s29  }
0x193: {  	v7 =	vadd.s32 v8, v7;
	v8 =	vsel vm1, $0x1, v2;
	vm1 =	vge.s32 v19, s29  }
0x194: {  	v7 =	vadd.s32 v8, v7;
	v8 =	vsel vm1, $0x1, v2;
	vm1 =	vge.s32 v18, s29  }
0x195: {  	v7 =	vadd.s32 v8, v7;
	v8 =	vsel vm1, $0x1, v2;
	vm1 =	vge.s32 v9, s29  }
0x196: {  	v7 =	vadd.s32 v8, v7;
	v8 =	vsel vm1, $0x1, v2;
	vm1 =	vge.s32 v11, s29  }
0x197: {  	v17 =	vld [tilespmem:$0x1FF80];
	v7 =	vadd.s32 v8, v7;
	v8 =	vsel vm1, $0x1, v2;
	vm1 =	vge.s32 v16, s29  }
0x198: {  	v7 =	vadd.s32 v8, v7;
	v8 =	vsel vm1, $0x1, v2;
	vm1 =	vge.s32 v12, s29  }
0x199: {  	v7 =	vadd.s32 v8, v7;
	v8 =	vsel vm1, $0x1, v2;
	vm1 =	vge.s32 v15, s29  }
0x19a: {  	v7 =	vadd.s32 v8, v7;
	v8 =	vsel vm1, $0x1, v2;
	vm1 =	vge.s32 v14, s29  }
0x19b: {  	v7 =	vadd.s32 v8, v7;
	v8 =	vsel vm1, $0x1, v2;
	vm1 =	vge.s32 v13, s29  }
0x19c: {  	v7 =	vadd.s32 v8, v7;
	v8 =	vsel vm1, $0x1, v2;
	vm1 =	vge.s32 v17, s29;
	v17 =	vld [tilespmem:$0x1FF70];
	_ =	sdelay $0x4  }
0x19d: {  	v7 =	vadd.s32 v8, v7;
	v8 =	vsel vm1, $0x1, v2;
	vm1 =	vge.s32 v17, s29;
	v17 =	vmovc v11;
	v11 =	vmovc v16;
	v16 =	vld [tilespmem:$0x1FF90];
	_ =	sdelay $0x4  }
0x19e: {  	v7 =	vadd.s32 v8, v7;
	v8 =	vsel vm1, $0x1, v2;
	vm1 =	vge.s32 v16, s29;
	v16 =	vmovc v12;
	v12 =	vld [tilespmem:$0x1FFA0];
	_ =	sdelay $0x4  }
0x19f: {  	v7 =	vadd.s32 v8, v7;
	v8 =	vsel vm1, $0x1, v2;
	vm1 =	vge.s32 v12, s29  }
0x1a0: {  	v7 =	vadd.s32 v8, v7;
	v8 =	vsel vm1, $0x1, v2  }
0x1a1: {  	v7 =	vadd.s32 v8, v7  }
0x1a2: {  	(xrf0) =	vadd.scan.msk.s32 $0xffff, v7;
	_ =	sdelay $0x5  }
0x1a3: {  	v7, _, _ =	vpop (xrf0)  }
0x1a4: {  	(v2sf) =	vpush v7, $0xF;
	_ =	sdelay $0xc  }
0x1a5: {  	p3 =	seq.s32 s26, $0x1  }
.Ltmp7:
0x1a6: {  	_ = 	snop;
	(pc) =	sbr.rel @!p3 .LBB2_10-.Ltmp7, $4  }
0x1a7: {  	s30 =	spop (v2sf)  }
0x1a8: {  	p4 =	sgt.s32 s30, $0x65  }
0x1a9: {  	s24 =	smov.u32 @p4 s29  }
0x1aa: {  	s26 =	sadd.s32 $0xFFFFFFFF, s26;
	v12 =	vmov v16;
	v16 =	vmov v11;
	v11 =	vmov v17;
	s25 =	smov.u32 @p4 s28;
	s29 =	sxor.u32 $0xFFFFFFFF, s24  }
0x1ab: {  	s25 =	sadd.s32 s29, s25  }
0x1ac: {  	s25 =	sshra.s32 s25, $0x1  }
0x1ad: {  	s25 =	sadd.s32 s24, s25  }
0x1ae: {  	s25 =	sadd.s32 $0x1, s25  }
0x1af: {  	vm1 =	vge.s32 v1, s25;
	vm2 =	vge.s32 v6, s25  }
0x1b0: {  	v1 =	vsel vm1, $0x1, v2;
	vm1 =	vge.s32 v4, s25;
	v4 =	vsel vm2, $0x1, v2  }
0x1b1: {  	vm2 =	vge.s32 v5, s25;
	v1 =	vadd.s32 v1, v4;
	v4 =	vsel vm1, $0x1, v2  }
0x1b2: {  	vm1 =	vge.s32 v3, s25;
	v3 =	vsel vm2, $0x1, v2;
	v1 =	vadd.s32 v4, v1  }
0x1b3: {  	vm2 =	vge.s32 v0, s25;
	v0 =	vsel vm1, $0x1, v2;
	v1 =	vadd.s32 v3, v1  }
0x1b4: {  	vm1 =	vge.s32 v63, s25;
	v0 =	vadd.s32 v0, v1;
	v1 =	vsel vm2, $0x1, v2  }
0x1b5: {  	vm2 =	vge.s32 v62, s25;
	v0 =	vadd.s32 v1, v0;
	v1 =	vsel vm1, $0x1, v2  }
0x1b6: {  	vm1 =	vge.s32 v61, s25;
	v0 =	vadd.s32 v1, v0;
	v1 =	vsel vm2, $0x1, v2  }
0x1b7: {  	vm2 =	vge.s32 v60, s25;
	v0 =	vadd.s32 v1, v0;
	v1 =	vsel vm1, $0x1, v2  }
0x1b8: {  	vm1 =	vge.s32 v59, s25;
	v0 =	vadd.s32 v1, v0;
	v1 =	vsel vm2, $0x1, v2  }
0x1b9: {  	vm2 =	vge.s32 v58, s25;
	v0 =	vadd.s32 v1, v0;
	v1 =	vsel vm1, $0x1, v2  }
0x1ba: {  	vm1 =	vge.s32 v57, s25;
	v0 =	vadd.s32 v1, v0;
	v1 =	vsel vm2, $0x1, v2  }
0x1bb: {  	vm2 =	vge.s32 v56, s25;
	v0 =	vadd.s32 v1, v0;
	v1 =	vsel vm1, $0x1, v2  }
0x1bc: {  	vm1 =	vge.s32 v55, s25;
	v0 =	vadd.s32 v1, v0;
	v1 =	vsel vm2, $0x1, v2  }
0x1bd: {  	vm2 =	vge.s32 v54, s25;
	v0 =	vadd.s32 v1, v0;
	v1 =	vsel vm1, $0x1, v2  }
0x1be: {  	vm1 =	vge.s32 v53, s25;
	v0 =	vadd.s32 v1, v0;
	v1 =	vsel vm2, $0x1, v2  }
0x1bf: {  	vm2 =	vge.s32 v52, s25;
	v0 =	vadd.s32 v1, v0;
	v1 =	vsel vm1, $0x1, v2  }
0x1c0: {  	vm1 =	vge.s32 v51, s25;
	v0 =	vadd.s32 v1, v0;
	v1 =	vsel vm2, $0x1, v2  }
0x1c1: {  	vm2 =	vge.s32 v50, s25;
	v0 =	vadd.s32 v1, v0;
	v1 =	vsel vm1, $0x1, v2  }
0x1c2: {  	vm1 =	vge.s32 v49, s25;
	v0 =	vadd.s32 v1, v0;
	v1 =	vsel vm2, $0x1, v2  }
0x1c3: {  	vm2 =	vge.s32 v48, s25;
	v0 =	vadd.s32 v1, v0;
	v1 =	vsel vm1, $0x1, v2  }
0x1c4: {  	vm1 =	vge.s32 v47, s25;
	v0 =	vadd.s32 v1, v0;
	v1 =	vsel vm2, $0x1, v2  }
0x1c5: {  	vm2 =	vge.s32 v46, s25;
	v0 =	vadd.s32 v1, v0;
	v1 =	vsel vm1, $0x1, v2  }
0x1c6: {  	vm1 =	vge.s32 v45, s25;
	v0 =	vadd.s32 v1, v0;
	v1 =	vsel vm2, $0x1, v2  }
0x1c7: {  	vm2 =	vge.s32 v44, s25;
	v0 =	vadd.s32 v1, v0;
	v1 =	vsel vm1, $0x1, v2  }
0x1c8: {  	vm1 =	vge.s32 v43, s25;
	v0 =	vadd.s32 v1, v0;
	v1 =	vsel vm2, $0x1, v2  }
0x1c9: {  	vm2 =	vge.s32 v42, s25;
	v0 =	vadd.s32 v1, v0;
	v1 =	vsel vm1, $0x1, v2  }
0x1ca: {  	vm1 =	vge.s32 v41, s25;
	v0 =	vadd.s32 v1, v0;
	v1 =	vsel vm2, $0x1, v2  }
0x1cb: {  	vm2 =	vge.s32 v40, s25;
	v0 =	vadd.s32 v1, v0;
	v1 =	vsel vm1, $0x1, v2  }
0x1cc: {  	vm1 =	vge.s32 v39, s25;
	v0 =	vadd.s32 v1, v0;
	v1 =	vsel vm2, $0x1, v2  }
0x1cd: {  	vm2 =	vge.s32 v38, s25;
	v0 =	vadd.s32 v1, v0;
	v1 =	vsel vm1, $0x1, v2  }
0x1ce: {  	vm1 =	vge.s32 v37, s25;
	v0 =	vadd.s32 v1, v0;
	v1 =	vsel vm2, $0x1, v2  }
0x1cf: {  	vm2 =	vge.s32 v36, s25;
	v0 =	vadd.s32 v1, v0;
	v1 =	vsel vm1, $0x1, v2  }
0x1d0: {  	vm1 =	vge.s32 v35, s25;
	v0 =	vadd.s32 v1, v0;
	v1 =	vsel vm2, $0x1, v2  }
0x1d1: {  	vm2 =	vge.s32 v34, s25;
	v0 =	vadd.s32 v1, v0;
	v1 =	vsel vm1, $0x1, v2  }
0x1d2: {  	vm1 =	vge.s32 v33, s25;
	v0 =	vadd.s32 v1, v0;
	v1 =	vsel vm2, $0x1, v2  }
0x1d3: {  	vm2 =	vge.s32 v32, s25;
	v0 =	vadd.s32 v1, v0;
	v1 =	vsel vm1, $0x1, v2  }
0x1d4: {  	vm1 =	vge.s32 v31, s25;
	v0 =	vadd.s32 v1, v0;
	v1 =	vsel vm2, $0x1, v2  }
0x1d5: {  	vm2 =	vge.s32 v30, s25;
	v0 =	vadd.s32 v1, v0;
	v1 =	vsel vm1, $0x1, v2  }
0x1d6: {  	vm1 =	vge.s32 v29, s25;
	v0 =	vadd.s32 v1, v0;
	v1 =	vsel vm2, $0x1, v2  }
0x1d7: {  	vm2 =	vge.s32 v28, s25;
	v0 =	vadd.s32 v1, v0;
	v1 =	vsel vm1, $0x1, v2  }
0x1d8: {  	vm1 =	vge.s32 v27, s25;
	v0 =	vadd.s32 v1, v0;
	v1 =	vsel vm2, $0x1, v2  }
0x1d9: {  	vm2 =	vge.s32 v26, s25;
	v0 =	vadd.s32 v1, v0;
	v1 =	vsel vm1, $0x1, v2  }
0x1da: {  	vm1 =	vge.s32 v25, s25;
	v0 =	vadd.s32 v1, v0;
	v1 =	vsel vm2, $0x1, v2  }
0x1db: {  	vm2 =	vge.s32 v24, s25;
	v0 =	vadd.s32 v1, v0;
	v1 =	vsel vm1, $0x1, v2  }
0x1dc: {  	vm1 =	vge.s32 v23, s25;
	v0 =	vadd.s32 v1, v0;
	v1 =	vsel vm2, $0x1, v2  }
0x1dd: {  	vm2 =	vge.s32 v22, s25;
	v0 =	vadd.s32 v1, v0;
	v1 =	vsel vm1, $0x1, v2  }
0x1de: {  	vm1 =	vge.s32 v21, s25;
	v0 =	vadd.s32 v1, v0;
	v1 =	vsel vm2, $0x1, v2  }
0x1df: {  	vm2 =	vge.s32 v20, s25;
	v0 =	vadd.s32 v1, v0;
	v1 =	vsel vm1, $0x1, v2  }
0x1e0: {  	vm1 =	vge.s32 v10, s25;
	v0 =	vadd.s32 v1, v0;
	v1 =	vsel vm2, $0x1, v2  }
0x1e1: {  	vm2 =	vge.s32 v19, s25;
	v0 =	vadd.s32 v1, v0;
	v1 =	vsel vm1, $0x1, v2  }
0x1e2: {  	vm1 =	vge.s32 v18, s25;
	v0 =	vadd.s32 v1, v0;
	v1 =	vsel vm2, $0x1, v2  }
0x1e3: {  	vm2 =	vge.s32 v9, s25;
	v0 =	vadd.s32 v1, v0;
	v1 =	vsel vm1, $0x1, v2  }
0x1e4: {  	vm1 =	vge.s32 v11, s25;
	v0 =	vadd.s32 v1, v0;
	v1 =	vsel vm2, $0x1, v2  }
0x1e5: {  	vm2 =	vge.s32 v16, s25;
	v0 =	vadd.s32 v1, v0;
	v1 =	vsel vm1, $0x1, v2  }
0x1e6: {  	vm1 =	vge.s32 v12, s25;
	v0 =	vadd.s32 v1, v0;
	v1 =	vsel vm2, $0x1, v2  }
0x1e7: {  	vm2 =	vge.s32 v15, s25;
	v0 =	vadd.s32 v1, v0;
	v1 =	vsel vm1, $0x1, v2  }
0x1e8: {  	vm1 =	vge.s32 v14, s25;
	v0 =	vadd.s32 v1, v0;
	v1 =	vsel vm2, $0x1, v2  }
0x1e9: {  	v0 =	vadd.s32 v1, v0;
	v1 =	vsel vm1, $0x1, v2  }
0x1ea: {  	v0 =	vadd.s32 v1, v0;
	v1 =	vld [tilespmem:$0x1FF80];
	_ =	sdelay $0x3  }
0x1eb: {  	vm2 =	vge.s32 v13, s25  }
0x1ec: {  	vm1 =	vge.s32 v1, s25;
	v1 =	vsel vm2, $0x1, v2  }
0x1ed: {  	v0 =	vadd.s32 v1, v0;
	v1 =	vld [tilespmem:$0x1FF70];
	_ =	sdelay $0x4  }
0x1ee: {  	vm2 =	vge.s32 v1, s25;
	v1 =	vsel vm1, $0x1, v2  }
0x1ef: {  	v0 =	vadd.s32 v1, v0;
	v1 =	vld [tilespmem:$0x1FF90];
	_ =	sdelay $0x4  }
0x1f0: {  	vm1 =	vge.s32 v1, s25;
	v1 =	vsel vm2, $0x1, v2  }
0x1f1: {  	v0 =	vadd.s32 v1, v0;
	v1 =	vld [tilespmem:$0x1FFA0];
	_ =	sdelay $0x4  }
0x1f2: {  	vm2 =	vge.s32 v1, s25;
	v1 =	vsel vm1, $0x1, v2  }
0x1f3: {  	v0 =	vadd.s32 v1, v0;
	v1 =	vsel vm2, $0x1, v2  }
0x1f4: {  	v0 =	vadd.s32 v1, v0  }
0x1f5: {  	(xrf0) =	vadd.scan.msk.s32 $0xffff, v0;
	_ =	sdelay $0x5  }
0x1f6: {  	v0, _, _ =	vpop (xrf0)  }
0x1f7: {  	(v2sf) =	vpush v0, $0xF;
	_ =	sdelay $0xc  }
0x1f8: {  	s30 =	simm.s32 $0x0  }
0x1f9: {  	v3 =	vld [tilespmem:s30+$0x2080]  }
0x1fa: {  	v11 =	vld [tilespmem:$0x1FFC0];
	s26 =	spop (v2sf)  }
0x1fb: {  	v12 =	vld [tilespmem:$0x1FFD0];
	p3 =	sgt.s32 s26, $0x65  }
0x1fc: {  	v14 =	vld [tilespmem:$0x1FFF0];
	s24 =	smov.u32 @p3 s25  }
0x1fd: {  	v7 =	vlaneseq.u32;
	v13 =	vld [tilespmem:$0x1FFE0];
	v1 =	vimm.s32 $0x0;
	v0 =	vmov s24;
	s24 =	simm.s32 $0x40  }
.LBB2_12:
0x1fe: {  	p3 =	sne.s32 s24, $0xFC0  }
.Ltmp8:
0x1ff: {  	_ = 	snop;
	(pc) =	sbr.rel @p3 .LBB2_12-.Ltmp8, $4  }
0x200: {  	_ = 	snop  }
0x201: {  	s25 =	sshra.s32 s24, $0x2;
	s24 =	sadd.s32 $0x40, s24;
	vm1 =	vgt.s32 v3, v0  }
0x202: {  	v3 =	vld [tilespmem:s25+$0x2080];
	v4 =	vsel vm1, $0x1, v2  }
0x203: {  	v1 =	vadd.s32 v4, v1  }
0x204: {  	_ =	sdelay $0x2  }
0x205: {  	vm1 =	vgt.s32 v3, v0  }
0x206: {  	v3 =	vsel vm1, $0x1, v2  }
0x207: {  	v1 =	vadd.s32 v3, v1  }
0x208: {  	(xrf0) =	vadd.scan.msk.s32 $0xffff, v1;
	_ =	sdelay $0x1  }
0x209: {  	[tilespmem:$0x2480] =	vst v2  }
0x20a: {  	[tilespmem:$0x2490] =	vst v2  }
0x20b: {  	[tilespmem:$0x24A0] =	vst v2  }
0x20c: {  	[tilespmem:$0x24B0] =	vst v2  }
0x20d: {  	[tilespmem:$0x24C0] =	vst v2;
	v1, _, _ =	vpop (xrf0)  }
0x20e: {  	[tilespmem:$0x24D0] =	vst v2;
	(v2sf) =	vpush v1, $0xF  }
0x20f: {  	[tilespmem:$0x24E0] =	vst v2  }
0x210: {  	[tilespmem:$0x24F0] =	vst v2;
	s24 =	simm.s32 $0x2080  }
0x211: {  	v3 =	vld [tilespmem:s24+$0x0];
	_ =	sdelay $0x4  }
0x212: {  	vm1 =	veq.s32 v3, v0  }
0x213: {  	v1 =	vsel vm1, $0x1, v2  }
0x214: {  	(xrf0) =	vadd.scan.msk.s32 $0xffff, v1;
	_ =	sdelay $0x4  }
0x215: {  	s24 =	simm.s32 $0x0;
	v1 =	vsel vm1, $0xFFFFFFFF, v2;
	s25 =	spop (v2sf)  }
0x216: {  	v4 =	vadd.s32 s24, v1;
	v5, _, _ =	vpop (xrf0);
	s25 =	ssub.s32 $0x66, s25  }
0x217: {  	v4 =	vadd.s32 v5, v4;
	(v2sf) =	vpush v5, $0xF;
	v1 =	vmov s25  }
0x218: {  	vm2 =	vlt.s32 v4, v1  }
0x219: {  	vm3 =	vgt.s32 v3, v0;
	vm1 =	vmand vm1, vm2  }
0x21a: {  	v3 =	vor.u32 s24, v7;
	vm1 =	vmor vm3, vm1  }
0x21b: {  	[tilespmem:s24+$0x2480] =	vst.msk vm1, v3;
	v3 =	vsel vm1, $0x1, v2  }
0x21c: {  	(xrf0) =	vadd.scan.msk.s32 $0xffff, v3;
	_ =	sdelay $0x1  }
0x21d: {  	s28 =	simm.s32 $0x2090  }
0x21e: {  	s29 =	simm.s32 $0x20;
	s26 =	simm.s32 $0x0;
	s25 =	simm.s32 $0x10;
	v3 =	vld [tilespmem:s28+$0x0]  }
.LBB2_14:
0x21f: {  	p3 =	sne.s32 s29, $0x3F0;
	_ =	sdelay $0x1  }
0x220: {  	v4, _, _ =	vpop (xrf0)  }
0x221: {  	(v2sf) =	vpush v4, $0xF  }
0x222: {  	vm1 =	vgt.s32 v3, v0;
	vm2 =	veq.s32 v3, v0  }
0x223: {  	v3 =	vsel vm2, $0xFFFFFFFF, v2;
	v4 =	vsel vm2, $0x1, v2  }
0x224: {  	(xrf0) =	vadd.scan.msk.s32 $0xffff, v4;
	s30 =	spop (v2sf)  }
0x225: {  	s24 =	sadd.s32 s24, s30;
	_ =	sdelay $0x4  }
0x226: {  	v3 =	vadd.s32 s24, v3;
	v4, _, _ =	vpop (xrf0)  }
0x227: {  	v3 =	vadd.s32 v4, v3;
	(v2sf) =	vpush v4, $0xF  }
0x228: {  	vm3 =	vlt.s32 v3, v1  }
0x229: {  	vm2 =	vmand vm2, vm3  }
0x22a: {  	vm1 =	vmor vm1, vm2  }
.Ltmp9:
0x22b: {  	v3 =	vsel vm1, $0x1, v2;
	(pc) =	sbr.rel @p3 .LBB2_14-.Ltmp9, $4  }
0x22c: {  	(xrf0) =	vadd.scan.msk.s32 $0xffff, v3;
	s30 =	spop (v2sf)  }
0x22d: {  	v3 =	vor.u32 s25, v7;
	s25 =	smov.u32 s29;
	s26 =	sadd.s32 s26, s30  }
0x22e: {  	s28 =	sadd.s32 $0x10, s28;
	[tilespmem:s26+$0x2480] =	vst.msk vm1, v3  }
0x22f: {  	s29 =	sadd.s32 $0x10, s29;
	v3 =	vld [tilespmem:s28+$0x0]  }
0x230: {  	_ =	sdelay $0x3  }
0x231: {  	vm1 =	veq.s32 v3, v0  }
0x232: {  	v4 =	vsel vm1, $0x1, v2  }
0x233: {  	(xrf0) =	vadd.scan.msk.s32 $0xffff, v4;
	_ =	sdelay $0x3  }
0x234: {  	s28 =	spop (v2sf)  }
0x235: {  	v63, _, _ =	vpop (xrf0);
	v5 =	vsel vm1, $0xFFFFFFFF, v2;
	s24 =	sadd.s32 s24, s28  }
0x236: {  	v5 =	vadd.s32 s24, v5;
	v6, _, _ =	vpop (xrf0)  }
0x237: {  	v5 =	vadd.s32 v6, v5  }
0x238: {  	vm2 =	vlt.s32 v5, v1  }
0x239: {  	vm3 =	vgt.s32 v3, v0;
	vm1 =	vmand vm1, vm2  }
0x23a: {  	vm1 =	vmor vm3, vm1  }
0x23b: {  	v0 =	vsel vm1, $0x1, v2  }
0x23c: {  	(xrf0) =	vadd.scan.msk.s32 $0xffff, v0;
	_ =	sdelay $0x1  }
0x23d: {  	(v2sf) =	vpush v63, $0xF;
	_ =	sdelay $0x3  }
0x23e: {  	(v2sf) =	vpush v6, $0xF;
	v0, _, _ =	vpop (xrf0)  }
0x23f: {  	(v2sf) =	vpush v0, $0xF;
	_ =	sdelay $0x9  }
0x240: {  	s29 =	spop (v2sf)  }
0x241: {  	s24 =	sadd.s32 s26, s29;
	v0 =	vor.u32 s25, v7  }
0x242: {  	s25 =	simm.s32 $0x2480;
	[tilespmem:s24+$0x2480] =	vst.msk vm1, v0;
	s24 =	rddreg [dreg:$0x5]  }
0x243: {  	[spmem:s24] =	stream.linear.scatter [tilespmem:s25], [sflag:$0x2], $0x68, $0x38;
	[tilespmem:$0x59C8] =	vst v63  }
0x244: {  	s28 =	spop (v2sf)  }
.Ltmp10:
0x245: {  	s29 =	spop (v2sf);
	(pc) =	sbr.rel .LBB2_16-.Ltmp10, $4  }
0x246: {  	_ =	swait.ge [sflag:s22], $0x68  }
0x247: {  	[sflag:s22] =	ssyncset.done $0x0  }
0x248: {  	[sflag:s22] =	ssyncadd.s32 $0xFFFFFF98  }
0x249: {  	s30 =	rddreg [dreg:$0x1]  }
.LBB2_17:
.Ltmp11:
0x24a: {  	(pc) =	sbr.rel @p2 .LBB2_19-.Ltmp11, $4  }
.Ltmp12:
0x24b: {  	(pc) =	sbr.rel @!p2 .LBB2_18-.Ltmp12, $4  }
0x24c: {  	[bflag:$0x0] =	sbarrier.arrive $0xFFFF  }
0x24d: {  	[bflag:$0x0] =	sbarrier.arrive $0xFFFF  }
0x24e: {  	_ = 	snop  }
0x24f: {  	_ = 	snop  }
.LBB2_20:
0x250: {  	_ =	sfence.sel $0x180000  }
0x251: {  	[bflag:$0x0] =	sbarrier.arrive $0xFFFF  }
0x252: {  	_ =	strace $0x90000047  }
0x253: {  	[bflag:$0x2] =	sbarrier.arrive $0xFFFF  }
0x254: {  	s0 =	rddreg [dreg:$0x6]  }
0x255: {  	s0 =	sadd.s32 @!p0 $0x100000, s0  }
0x256: {  	[sflag:s0] =	ssyncadd.tile.s32 @!p0 $0x1;
	_ =	shalt  }
.Lfunc_end2:
_tile_overlayer_lowered:
.L_overlay_start_2:
0x257: {  	(tag) =	ssettag $0x2  }
0x258: {  	s0 =	rddreg [dreg:$0x0];
	s2 =	stileid.u32  }
0x259: {  	s1 =	rddreg [dreg:$0x1];
	p0 =	sne.s32 s2, $0x0  }
0x25a: {  	s3 =	rddreg [dreg:$0x2];
	[bflag:$0x3] =	sbarrier.arrive $0xFFFF;
	s2 =	simm.s32 @!p0 $0x1C02  }
0x25b: {  	[timem:s3], [sflag:s2] =	dma.local @!p0 [hbm:s0], s1  }
0x25c: {  	s0 =	simm.s32 @!p0 $0x2  }
0x25d: {  	_ =	swait.ge @!p0 [sflag:s0], s1  }
0x25e: {  	s1 =	ssub.s32 @!p0 $0x0, s1;
	[sflag:s0] =	ssyncset.done @!p0 $0x0  }
0x25f: {  	[sflag:s0] =	ssyncadd.s32 @!p0 s1  }
0x260: {  	[bflag:$0x3] =	sbarrier.arrive $0xFFFF  }
0x261: {  	_ =	shalt  }

</sc_bundles>
